<compile_context>
chip_gen: v7x
topology: tpu7x:2x2x1
jax: 0.10.2.dev20260603
libtpu: 0.0.44.dev20260713+nightly
codegen_flags: <defaults>
</compile_context>

<pallas_src>
import functools

import jax
import jax.numpy as jnp
from jax import lax
from jax.experimental import pallas as pl
from jax.experimental.pallas import tpu as pltpu
from jax.experimental.pallas import tpu_sc as plsc

B, N, C, D, K = 8, 4096, 64, 128, 32
M = N // 4
QT = 512
NW = 32
QW = (B * M) // NW
CQ = 4
NCH = QW // CQ
IPW = QW * K // 128


def _fps_body(pos_ref, out_ref, dist_ref):
    x = pos_ref[0]
    y = pos_ref[1]
    z = pos_ref[2]
    lane = jax.lax.broadcasted_iota(jnp.int32, (B, N), 1)
    lane_m = jax.lax.broadcasted_iota(jnp.int32, (B, M), 1)
    dist_ref[...] = jnp.full((B, N), 1e10, jnp.float32)

    def body(i, first):
        oh = lane == first
        cx = jnp.sum(jnp.where(oh, x, 0.0), axis=1, keepdims=True)
        cy = jnp.sum(jnp.where(oh, y, 0.0), axis=1, keepdims=True)
        cz = jnp.sum(jnp.where(oh, z, 0.0), axis=1, keepdims=True)
        sel = lane_m == i
        out_ref[0] = jnp.where(sel, cx, out_ref[0])
        out_ref[1] = jnp.where(sel, cy, out_ref[1])
        out_ref[2] = jnp.where(sel, cz, out_ref[2])
        dx = x - cx
        dy = y - cy
        dz = z - cz
        d = (dx * dx + dy * dy) + dz * dz
        dist = jnp.minimum(dist_ref[...], d)
        dist_ref[...] = dist
        mx = jnp.max(dist, axis=1, keepdims=True)
        return jnp.min(jnp.where(dist == mx, lane, N), axis=1, keepdims=True)

    jax.lax.fori_loop(0, M, body, jnp.zeros((B, 1), jnp.int32))


def _knn_body(pos_ref, q_ref, f_ref, w_ref, b_ref, ind_ref, h_ref, key_ref):
    bi = pl.program_id(0)
    qi = pl.program_id(1)

    @pl.when(qi == 0)
    def _():
        h = jnp.dot(f_ref[0], w_ref[...], preferred_element_type=jnp.float32)
        h_ref[0] = jnp.maximum(h + b_ref[...], 0.0)

    x = pos_ref[0, 0:1]
    y = pos_ref[0, 1:2]
    z = pos_ref[0, 2:3]
    lane8 = jax.lax.broadcasted_iota(jnp.int32, (QT, B), 1)
    bsel = lane8 == bi
    qx = jnp.sum(jnp.where(bsel, q_ref[0], 0.0), axis=1, keepdims=True)
    qy = jnp.sum(jnp.where(bsel, q_ref[1], 0.0), axis=1, keepdims=True)
    qz = jnp.sum(jnp.where(bsel, q_ref[2], 0.0), axis=1, keepdims=True)
    dx = qx - x
    dy = qy - y
    dz = qz - z
    lane = jax.lax.broadcasted_iota(jnp.int32, (QT, N), 1)
    lane_k = jax.lax.broadcasted_iota(jnp.int32, (QT, K), 1)

    d0 = (dx * dx + dy * dy) + dz * dz
    key_ref[...] = (jax.lax.bitcast_convert_type(d0, jnp.int32)
                    & jnp.int32(-4096)) | lane

    def step(j, carry):
        m_prev, ind = carry
        key = key_ref[...]
        m = jnp.min(jnp.where(key > m_prev, key, jnp.int32(0x7FFFFFFF)),
                    axis=1, keepdims=True)
        ind = jnp.where(lane_k == j, (m & 4095) + bi * N, ind)
        return m, ind

    _, ind = jax.lax.fori_loop(
        0, K, step,
        (jnp.full((QT, 1), -1, jnp.int32), jnp.zeros((QT, K), jnp.int32)))
    ind_ref[0] = ind


def _sc_gather_body(h_hbm, ind_hbm, out_hbm, idx_v, rows0, rows1, outb,
                    sem0, sem1, osem):
    wid = lax.axis_index("s") * 2 + lax.axis_index("c")
    pltpu.sync_copy(ind_hbm.at[pl.ds(wid * IPW, IPW)], idx_v)
    pltpu.async_copy(h_hbm.at[idx_v.at[0]], rows0, sem0)

    def compute(rows_b, c):
        for q in range(CQ):
            base = q * K
            vecs = tuple(rows_b[base, pl.ds(dv * 16, 16)] for dv in range(8))

            def kstep(k, vs):
                return tuple(
                    jnp.maximum(vs[dv], rows_b[base + k, pl.ds(dv * 16, 16)])
                    for dv in range(8))

            vecs = lax.fori_loop(1, K, kstep, vecs)
            for dv in range(8):
                outb[q, pl.ds(dv * 16, 16)] = vecs[dv]
        pltpu.async_copy(
            outb, out_hbm.at[pl.ds(wid * QW + c * CQ, CQ)], osem).wait()

    def pair(p, _):
        c0 = 2 * p
        c1 = 2 * p + 1
        pltpu.async_copy(h_hbm.at[idx_v.at[c1]], rows1, sem1)
        pltpu.make_async_copy(h_hbm.at[idx_v.at[c0]], rows0, sem0).wait()
        compute(rows0, c0)

        @pl.when(c1 + 1 < NCH)
        def _():
            pltpu.async_copy(h_hbm.at[idx_v.at[c1 + 1]], rows0, sem0)

        pltpu.make_async_copy(h_hbm.at[idx_v.at[c1]], rows1, sem1).wait()
        compute(rows1, c1)
        return 0

    lax.fori_loop(0, NCH // 2, pair, 0)


@functools.cache
def _sc_gather():
    return pl.kernel(
        _sc_gather_body,
        mesh=plsc.VectorSubcoreMesh(core_axis_name="c", subcore_axis_name="s"),
        out_type=jax.ShapeDtypeStruct((B * M, D), jnp.float32),
        scratch_types=[
            pltpu.VMEM((IPW, 128), jnp.int32),
            pltpu.VMEM((CQ * K, D), jnp.float32),
            pltpu.VMEM((CQ * K, D), jnp.float32),
            pltpu.VMEM((CQ, D), jnp.float32),
            pltpu.SemaphoreType.DMA,
            pltpu.SemaphoreType.DMA,
            pltpu.SemaphoreType.DMA,
        ],
    )


def kernel(feature, pos, W, b):
    pos_t = jnp.transpose(pos, (2, 0, 1))

    sampled_c = pl.pallas_call(
        _fps_body,
        out_shape=jax.ShapeDtypeStruct((3, B, M), jnp.float32),
        scratch_shapes=[pltpu.VMEM((B, N), jnp.float32)],
    )(pos_t)

    sampled_pos = jnp.transpose(sampled_c, (1, 2, 0))
    q_cols = jnp.transpose(sampled_c, (0, 2, 1))

    ind, h = pl.pallas_call(
        _knn_body,
        grid=(B, M // QT),
        in_specs=[
            pl.BlockSpec((1, 3, N), lambda bi, qi: (bi, 0, 0)),
            pl.BlockSpec((3, QT, B), lambda bi, qi: (0, qi, 0)),
            pl.BlockSpec((1, N, C), lambda bi, qi: (bi, 0, 0)),
            pl.BlockSpec((C, D), lambda bi, qi: (0, 0)),
            pl.BlockSpec((1, D), lambda bi, qi: (0, 0)),
        ],
        out_specs=[
            pl.BlockSpec((1, QT, K), lambda bi, qi: (bi, qi, 0)),
            pl.BlockSpec((1, N, D), lambda bi, qi: (bi, 0, 0)),
        ],
        out_shape=[
            jax.ShapeDtypeStruct((B, M, K), jnp.int32),
            jax.ShapeDtypeStruct((B, N, D), jnp.float32),
        ],
        scratch_shapes=[pltpu.VMEM((QT, N), jnp.int32)],
    )(jnp.transpose(pos, (0, 2, 1)), q_cols, feature, W, b.reshape(1, D))

    out = _sc_gather()(h.reshape(B * N, D),
                       ind.reshape((B * M * K) // 128, 128))
    return (out.reshape(B, M, D), sampled_pos)

# --- scband reference (transcript-rebuilt; emitter-appended) ---
"""Pipeline reference for scband-down-sample-76158360093248 (READ-ONLY COPY).

The authoritative reference and input builder live on the scoring server;
editing this copy changes nothing except your own understanding.
"""

import jax, jax.numpy as jnp
import numpy as np

DIM = 128
NEIGHBORS = 32
SAMPLING_RATE = 4

def setup_inputs(seed: int = 0) -> dict:
    key = jax.random.key(seed)
    k1, k2, k3 = jax.random.split(key, 3)
    B, N, C = 8, 4096, 64
    feature = jax.random.normal(k1, (B, N, C), dtype=jnp.float32)
    pos = jax.random.uniform(k2, (B, N, 3), dtype=jnp.float32)
    # Dense(dim=128) with HeNormal init, zero bias
    W = jax.random.normal(k3, (C, DIM), dtype=jnp.float32) * np.sqrt(2.0 / C)
    b = jnp.zeros((DIM,), dtype=jnp.float32)
    return {"feature": feature, "pos": pos, "W": W, "b": b}


def farthest_point_sampling(npoint, pos):
    # pos: [B, N, 3] -> (indices [B, npoint] int32, dist [B, N])
    B, N, _ = pos.shape

    def body(i, carry):
        idx, dist, farthest = carry
        idx = idx.at[:, i].set(farthest)
        centroid = jnp.take_along_axis(pos, farthest[:, None, None].astype(jnp.int32) * jnp.ones((1, 1, 3), jnp.int32), axis=1)  # [B,1,3]
        d = jnp.sum((pos - centroid) ** 2, axis=-1)  # [B, N]
        dist = jnp.minimum(dist, d)
        farthest = jnp.argmax(dist, axis=-1).astype(jnp.int32)
        return (idx, dist, farthest)

    idx0 = jnp.zeros((B, npoint), dtype=jnp.int32)
    dist0 = jnp.full((B, N), 1e10, dtype=jnp.float32)
    far0 = jnp.zeros((B,), dtype=jnp.int32)
    idx, dist, _ = jax.lax.fori_loop(0, npoint, body, (idx0, dist0, far0))
    return idx, dist


def knn(k, pos, query):
    # pos: [B, N, 3], query: [B, M, 3] -> indices into pos [B, M, k]
    d = jnp.sum((query[:, :, None, :] - pos[:, None, :, :]) ** 2, axis=-1)  # [B, M, N]
    _, idx = jax.lax.top_k(-d, k)
    return idx, d


def reference(feature, pos, W, b):
    B, N, _ = pos.shape
    npoint = N // SAMPLING_RATE
    ind, _dist = farthest_point_sampling(npoint, pos)
    sampled_pos = jax.vmap(lambda p, i: p[i])(pos, ind)  # [B, M, 3]
    local_ind, _ = knn(NEIGHBORS, pos, sampled_pos)  # [B, M, K]
    local_feature = jax.vmap(lambda f, i: f[i])(feature, local_ind)  # [B, M, K, C]
    h = jax.nn.relu(jnp.einsum('bmkc,cd->bmkd', local_feature, W) + b)
    output = jnp.max(h, axis=-2)  # [B, M, DIM]
    return (output, sampled_pos)

if __name__ == "__main__":
    import jax
    _d = setup_inputs()
    print(jax.jit(kernel)(*tuple(_d.values())))

</pallas_src>

<mosaic_0001>
#map = affine_map<(d0, d1) -> (0, 0)>
module attributes {stable_mosaic.version = 14 : i64} {
  func.func @_sc_gather_body(%arg0: i32, %arg1: i32, %arg2: memref<32768x128xf32, #tpu.memory_space<hbm>>, %arg3: memref<2048x128xi32, #tpu.memory_space<hbm>>, %arg4: memref<8192x128xf32, #tpu.memory_space<hbm>>, %arg5: memref<64x128xi32, #tpu.memory_space<vmem>>, %arg6: memref<128x128xf32, #tpu.memory_space<vmem>>, %arg7: memref<128x128xf32, #tpu.memory_space<vmem>>, %arg8: memref<4x128xf32, #tpu.memory_space<vmem>>, %arg9: memref<!tpu.dma_semaphore, #tpu.memory_space<semaphore_mem>>, %arg10: memref<!tpu.dma_semaphore, #tpu.memory_space<semaphore_mem>>, %arg11: memref<!tpu.dma_semaphore, #tpu.memory_space<semaphore_mem>>) attributes {dimension_semantics = [#tpu.dimension_semantics<core_parallel>, #tpu.dimension_semantics<subcore_parallel>], iteration_bounds = array<i64: 2, 16>, scalar_prefetch = 0 : i64, scratch_operands = 7 : i64, tpu.core_type = #tpu.core_type<sc_vector_subcore>, window_params = [{transform_indices = #map}, {transform_indices = #map}, {transform_indices = #map}]} {
    %mul3A = arith.constant 2 : i32
    %mul3A_0 = arith.muli %arg1, %mul3A : i32
    %add3A = arith.addi %mul3A_0, %arg0 : i32
    %mul3A_1 = arith.constant 64 : i32
    %mul3A_2 = arith.muli %add3A, %mul3A_1 : i32
    "tpu.region"() ({
      %run_scoped3A = tpu.sem_alloc : memref<!tpu.dma_semaphore, #tpu.memory_space<semaphore_mem>>
      %dma_start3A_15 = arith.constant 0 : i32
      %dma_start3A_16 = tpu.memref_slice %arg3[%mul3A_2, %dma_start3A_15] : memref<2048x128xi32, #tpu.memory_space<hbm>> -> memref<64x128xi32, #tpu.memory_space<hbm>>
      %dma_start3A_17 = arith.constant 0 : i32
      %dma_start3A_18 = tpu.memref_slice %arg3[%mul3A_2, %dma_start3A_17] : memref<2048x128xi32, #tpu.memory_space<hbm>> -> memref<64x128xi32, #tpu.memory_space<hbm>>
      tpu.enqueue_dma source(%dma_start3A_18 : memref<64x128xi32, #tpu.memory_space<hbm>>) target(%arg5 : memref<64x128xi32, #tpu.memory_space<vmem>>) target_semaphore(%run_scoped3A : memref<!tpu.dma_semaphore, #tpu.memory_space<semaphore_mem>>)
      %dma_wait3A = arith.constant 0 : i32
      %dma_wait3A_19 = tpu.memref_slice %arg3[%mul3A_2, %dma_wait3A] : memref<2048x128xi32, #tpu.memory_space<hbm>> -> memref<64x128xi32, #tpu.memory_space<hbm>>
      %dma_wait3A_20 = arith.constant 0 : i32
      %dma_wait3A_21 = tpu.memref_slice %arg3[%mul3A_2, %dma_wait3A_20] : memref<2048x128xi32, #tpu.memory_space<hbm>> -> memref<64x128xi32, #tpu.memory_space<hbm>>
      tpu.wait_dma2 semaphore(%run_scoped3A : memref<!tpu.dma_semaphore, #tpu.memory_space<semaphore_mem>>) src(%dma_wait3A_21 : memref<64x128xi32, #tpu.memory_space<hbm>>) dst(%arg5 : memref<64x128xi32, #tpu.memory_space<vmem>>)
      tpu.yield
    }) : () -> ()
    %dma_start3A = arith.constant 0 : i32
    %dma_start3A_3 = arith.constant 0 : i32
    %dma_start3A_4 = tpu.memref_slice %arg5[%dma_start3A, %dma_start3A_3] : memref<64x128xi32, #tpu.memory_space<vmem>> -> memref<1x128xi32, #tpu.memory_space<vmem>>
    %dma_start3A_5 = tpu.memref_squeeze %dma_start3A_4 : memref<1x128xi32, #tpu.memory_space<vmem>> -> memref<128xi32, #tpu.memory_space<vmem>>
    %dma_start3A_6 = arith.constant 0 : i32
    %dma_start3A_7 = arith.constant 0 : i32
    %dma_start3A_8 = tpu.memref_slice %arg2[%dma_start3A_6, %dma_start3A_7] : memref<32768x128xf32, #tpu.memory_space<hbm>> -> memref<32768x128xf32, #tpu.memory_space<hbm>>
    tpu.enqueue_indirect_dma source(%dma_start3A_8 : memref<32768x128xf32, #tpu.memory_space<hbm>>) target(%arg6 : memref<128x128xf32, #tpu.memory_space<vmem>>) offsets(%dma_start3A_5 : memref<128xi32, #tpu.memory_space<vmem>>) semaphore(%arg9 : memref<!tpu.dma_semaphore, #tpu.memory_space<semaphore_mem>>)
    %scan3A = arith.constant 0 : i32
    %scan3A_9 = arith.constant 0 : i32
    %scan3A_10 = arith.constant 32 : i32
    %scan3A_11 = arith.addi %scan3A_9, %scan3A_10 : i32
    %scan3A_12 = arith.constant 1 : i32
    %scan3A_13 = scf.for %scan3A_15 = %scan3A_9 to %scan3A_11 step %scan3A_12 iter_args(%scan3A_16 = %scan3A) -> (i32)  : i32 {
      %mul3A_17 = arith.constant 2 : i32
      %mul3A_18 = arith.muli %mul3A_17, %scan3A_15 : i32
      %mul3A_19 = arith.constant 2 : i32
      %mul3A_20 = arith.muli %mul3A_19, %scan3A_15 : i32
      %add3A_21 = arith.constant 1 : i32
      %add3A_22 = arith.addi %mul3A_20, %add3A_21 : i32
      %dma_start3A_23 = arith.constant 0 : i32
      %dma_start3A_24 = tpu.memref_slice %arg5[%add3A_22, %dma_start3A_23] : memref<64x128xi32, #tpu.memory_space<vmem>> -> memref<1x128xi32, #tpu.memory_space<vmem>>
      %dma_start3A_25 = tpu.memref_squeeze %dma_start3A_24 : memref<1x128xi32, #tpu.memory_space<vmem>> -> memref<128xi32, #tpu.memory_space<vmem>>
      %dma_start3A_26 = arith.constant 0 : i32
      %dma_start3A_27 = arith.constant 0 : i32
      %dma_start3A_28 = tpu.memref_slice %arg2[%dma_start3A_26, %dma_start3A_27] : memref<32768x128xf32, #tpu.memory_space<hbm>> -> memref<32768x128xf32, #tpu.memory_space<hbm>>
      tpu.enqueue_indirect_dma source(%dma_start3A_28 : memref<32768x128xf32, #tpu.memory_space<hbm>>) target(%arg7 : memref<128x128xf32, #tpu.memory_space<vmem>>) offsets(%dma_start3A_25 : memref<128xi32, #tpu.memory_space<vmem>>) semaphore(%arg10 : memref<!tpu.dma_semaphore, #tpu.memory_space<semaphore_mem>>)
      %dma_wait3A = arith.constant 0 : i32
      %dma_wait3A_29 = tpu.memref_slice %arg5[%mul3A_18, %dma_wait3A] : memref<64x128xi32, #tpu.memory_space<vmem>> -> memref<1x128xi32, #tpu.memory_space<vmem>>
      %dma_wait3A_30 = tpu.memref_squeeze %dma_wait3A_29 : memref<1x128xi32, #tpu.memory_space<vmem>> -> memref<128xi32, #tpu.memory_space<vmem>>
      %dma_wait3A_31 = arith.constant 0 : i32
      %dma_wait3A_32 = arith.constant 0 : i32
      %dma_wait3A_33 = tpu.memref_slice %arg2[%dma_wait3A_31, %dma_wait3A_32] : memref<32768x128xf32, #tpu.memory_space<hbm>> -> memref<32768x128xf32, #tpu.memory_space<hbm>>
      tpu.wait_indirect_dma semaphore(%arg9 : memref<!tpu.dma_semaphore, #tpu.memory_space<semaphore_mem>>) src(%dma_wait3A_33 : memref<32768x128xf32, #tpu.memory_space<hbm>>) dst(%arg6 : memref<128x128xf32, #tpu.memory_space<vmem>>)
      %get3A = arith.constant 0 : i32
      %get3A_34 = arith.index_cast %get3A : i32 to index
      %get3A_35 = arith.constant 0 : index
      %get3A_36 = tpu.vector_load %arg6[%get3A_34, %get3A_35] {strides = array<i32>} : memref<128x128xf32, #tpu.memory_space<vmem>>, vector<1x16xf32>,
      %get3A_37 = vector.shape_cast %get3A_36 : vector<1x16xf32> to vector<16xf32>
      %get3A_38 = arith.constant 0 : i32
      %get3A_39 = arith.index_cast %get3A_38 : i32 to index
      %get3A_40 = arith.constant 16 : index
      %get3A_41 = tpu.vector_load %arg6[%get3A_39, %get3A_40] {strides = array<i32>} : memref<128x128xf32, #tpu.memory_space<vmem>>, vector<1x16xf32>,
      %get3A_42 = vector.shape_cast %get3A_41 : vector<1x16xf32> to vector<16xf32>
      %get3A_43 = arith.constant 0 : i32
      %get3A_44 = arith.index_cast %get3A_43 : i32 to index
      %get3A_45 = arith.constant 32 : index
      %get3A_46 = tpu.vector_load %arg6[%get3A_44, %get3A_45] {strides = array<i32>} : memref<128x128xf32, #tpu.memory_space<vmem>>, vector<1x16xf32>,
      %get3A_47 = vector.shape_cast %get3A_46 : vector<1x16xf32> to vector<16xf32>
      %get3A_48 = arith.constant 0 : i32
      %get3A_49 = arith.index_cast %get3A_48 : i32 to index
      %get3A_50 = arith.constant 48 : index
      %get3A_51 = tpu.vector_load %arg6[%get3A_49, %get3A_50] {strides = array<i32>} : memref<128x128xf32, #tpu.memory_space<vmem>>, vector<1x16xf32>,
      %get3A_52 = vector.shape_cast %get3A_51 : vector<1x16xf32> to vector<16xf32>
      %get3A_53 = arith.constant 0 : i32
      %get3A_54 = arith.index_cast %get3A_53 : i32 to index
      %get3A_55 = arith.constant 64 : index
      %get3A_56 = tpu.vector_load %arg6[%get3A_54, %get3A_55] {strides = array<i32>} : memref<128x128xf32, #tpu.memory_space<vmem>>, vector<1x16xf32>,
      %get3A_57 = vector.shape_cast %get3A_56 : vector<1x16xf32> to vector<16xf32>
      %get3A_58 = arith.constant 0 : i32
      %get3A_59 = arith.index_cast %get3A_58 : i32 to index
      %get3A_60 = arith.constant 80 : index
      %get3A_61 = tpu.vector_load %arg6[%get3A_59, %get3A_60] {strides = array<i32>} : memref<128x128xf32, #tpu.memory_space<vmem>>, vector<1x16xf32>,
      %get3A_62 = vector.shape_cast %get3A_61 : vector<1x16xf32> to vector<16xf32>
      %get3A_63 = arith.constant 0 : i32
      %get3A_64 = arith.index_cast %get3A_63 : i32 to index
      %get3A_65 = arith.constant 96 : index
      %get3A_66 = tpu.vector_load %arg6[%get3A_64, %get3A_65] {strides = array<i32>} : memref<128x128xf32, #tpu.memory_space<vmem>>, vector<1x16xf32>,
      %get3A_67 = vector.shape_cast %get3A_66 : vector<1x16xf32> to vector<16xf32>
      %get3A_68 = arith.constant 0 : i32
      %get3A_69 = arith.index_cast %get3A_68 : i32 to index
      %get3A_70 = arith.constant 112 : index
      %get3A_71 = tpu.vector_load %arg6[%get3A_69, %get3A_70] {strides = array<i32>} : memref<128x128xf32, #tpu.memory_space<vmem>>, vector<1x16xf32>,
      %get3A_72 = vector.shape_cast %get3A_71 : vector<1x16xf32> to vector<16xf32>
      %scan3A_73 = arith.constant 1 : i32
      %scan3A_74 = arith.constant 31 : i32
      %scan3A_75 = arith.addi %scan3A_73, %scan3A_74 : i32
      %scan3A_76 = arith.constant 1 : i32
      %scan3A_77:8 = scf.for %scan3A_821 = %scan3A_73 to %scan3A_75 step %scan3A_76 iter_args(%scan3A_822 = %get3A_37, %scan3A_823 = %get3A_42, %scan3A_824 = %get3A_47, %scan3A_825 = %get3A_52, %scan3A_826 = %get3A_57, %scan3A_827 = %get3A_62, %scan3A_828 = %get3A_67, %scan3A_829 = %get3A_72) -> (vector<16xf32>, vector<16xf32>, vector<16xf32>, vector<16xf32>, vector<16xf32>, vector<16xf32>, vector<16xf32>, vector<16xf32>)  : i32 {
        %add3A_830 = arith.constant 0 : i32
        %add3A_831 = arith.addi %add3A_830, %scan3A_821 : i32
        %get3A_832 = arith.index_cast %add3A_831 : i32 to index
        %get3A_833 = arith.constant 0 : index
        %get3A_834 = tpu.vector_load %arg6[%get3A_832, %get3A_833] {strides = array<i32>} : memref<128x128xf32, #tpu.memory_space<vmem>>, vector<1x16xf32>,
        %get3A_835 = vector.shape_cast %get3A_834 : vector<1x16xf32> to vector<16xf32>
        %max3A = arith.maximumf %scan3A_822, %get3A_835 : vector<16xf32>
        %add3A_836 = arith.constant 0 : i32
        %add3A_837 = arith.addi %add3A_836, %scan3A_821 : i32
        %get3A_838 = arith.index_cast %add3A_837 : i32 to index
        %get3A_839 = arith.constant 16 : index
        %get3A_840 = tpu.vector_load %arg6[%get3A_838, %get3A_839] {strides = array<i32>} : memref<128x128xf32, #tpu.memory_space<vmem>>, vector<1x16xf32>,
        %get3A_841 = vector.shape_cast %get3A_840 : vector<1x16xf32> to vector<16xf32>
        %max3A_842 = arith.maximumf %scan3A_823, %get3A_841 : vector<16xf32>
        %add3A_843 = arith.constant 0 : i32
        %add3A_844 = arith.addi %add3A_843, %scan3A_821 : i32
        %get3A_845 = arith.index_cast %add3A_844 : i32 to index
        %get3A_846 = arith.constant 32 : index
        %get3A_847 = tpu.vector_load %arg6[%get3A_845, %get3A_846] {strides = array<i32>} : memref<128x128xf32, #tpu.memory_space<vmem>>, vector<1x16xf32>,
        %get3A_848 = vector.shape_cast %get3A_847 : vector<1x16xf32> to vector<16xf32>
        %max3A_849 = arith.maximumf %scan3A_824, %get3A_848 : vector<16xf32>
        %add3A_850 = arith.constant 0 : i32
        %add3A_851 = arith.addi %add3A_850, %scan3A_821 : i32
        %get3A_852 = arith.index_cast %add3A_851 : i32 to index
        %get3A_853 = arith.constant 48 : index
        %get3A_854 = tpu.vector_load %arg6[%get3A_852, %get3A_853] {strides = array<i32>} : memref<128x128xf32, #tpu.memory_space<vmem>>, vector<1x16xf32>,
        %get3A_855 = vector.shape_cast %get3A_854 : vector<1x16xf32> to vector<16xf32>
        %max3A_856 = arith.maximumf %scan3A_825, %get3A_855 : vector<16xf32>
        %add3A_857 = arith.constant 0 : i32
        %add3A_858 = arith.addi %add3A_857, %scan3A_821 : i32
        %get3A_859 = arith.index_cast %add3A_858 : i32 to index
        %get3A_860 = arith.constant 64 : index
        %get3A_861 = tpu.vector_load %arg6[%get3A_859, %get3A_860] {strides = array<i32>} : memref<128x128xf32, #tpu.memory_space<vmem>>, vector<1x16xf32>,
        %get3A_862 = vector.shape_cast %get3A_861 : vector<1x16xf32> to vector<16xf32>
        %max3A_863 = arith.maximumf %scan3A_826, %get3A_862 : vector<16xf32>
        %add3A_864 = arith.constant 0 : i32
        %add3A_865 = arith.addi %add3A_864, %scan3A_821 : i32
        %get3A_866 = arith.index_cast %add3A_865 : i32 to index
        %get3A_867 = arith.constant 80 : index
        %get3A_868 = tpu.vector_load %arg6[%get3A_866, %get3A_867] {strides = array<i32>} : memref<128x128xf32, #tpu.memory_space<vmem>>, vector<1x16xf32>,
        %get3A_869 = vector.shape_cast %get3A_868 : vector<1x16xf32> to vector<16xf32>
        %max3A_870 = arith.maximumf %scan3A_827, %get3A_869 : vector<16xf32>
        %add3A_871 = arith.constant 0 : i32
        %add3A_872 = arith.addi %add3A_871, %scan3A_821 : i32
        %get3A_873 = arith.index_cast %add3A_872 : i32 to index
        %get3A_874 = arith.constant 96 : index
        %get3A_875 = tpu.vector_load %arg6[%get3A_873, %get3A_874] {strides = array<i32>} : memref<128x128xf32, #tpu.memory_space<vmem>>, vector<1x16xf32>,
        %get3A_876 = vector.shape_cast %get3A_875 : vector<1x16xf32> to vector<16xf32>
        %max3A_877 = arith.maximumf %scan3A_828, %get3A_876 : vector<16xf32>
        %add3A_878 = arith.constant 0 : i32
        %add3A_879 = arith.addi %add3A_878, %scan3A_821 : i32
        %get3A_880 = arith.index_cast %add3A_879 : i32 to index
        %get3A_881 = arith.constant 112 : index
        %get3A_882 = tpu.vector_load %arg6[%get3A_880, %get3A_881] {strides = array<i32>} : memref<128x128xf32, #tpu.memory_space<vmem>>, vector<1x16xf32>,
        %get3A_883 = vector.shape_cast %get3A_882 : vector<1x16xf32> to vector<16xf32>
        %max3A_884 = arith.maximumf %scan3A_829, %get3A_883 : vector<16xf32>
        scf.yield %max3A, %max3A_842, %max3A_849, %max3A_856, %max3A_863, %max3A_870, %max3A_877, %max3A_884 : vector<16xf32>, vector<16xf32>, vector<16xf32>, vector<16xf32>, vector<16xf32>, vector<16xf32>, vector<16xf32>, vector<16xf32>
      }
      %scan3A_78 = arith.constant 31 : i32
      %swap3A = arith.constant 0 : i32
      %swap3A_79 = arith.index_cast %swap3A : i32 to index
      %swap3A_80 = arith.constant 0 : index
      %swap3A_81 = tpu.vector_load %arg8[%swap3A_79, %swap3A_80] {strides = array<i32>} : memref<4x128xf32, #tpu.memory_space<vmem>>, vector<1x16xf32>,
      %swap3A_82 = vector.shape_cast %swap3A_81 : vector<1x16xf32> to vector<16xf32>
      %swap3A_83 = vector.shape_cast %scan3A_77#0 : vector<16xf32> to vector<1x16xf32>
      tpu.vector_store %arg8[%swap3A_79, %swap3A_80], %swap3A_83 {strides = array<i32>} : memref<4x128xf32, #tpu.memory_space<vmem>>, vector<1x16xf32>,
      %swap3A_84 = arith.constant 0 : i32
      %swap3A_85 = arith.index_cast %swap3A_84 : i32 to index
      %swap3A_86 = arith.constant 16 : index
      %swap3A_87 = tpu.vector_load %arg8[%swap3A_85, %swap3A_86] {strides = array<i32>} : memref<4x128xf32, #tpu.memory_space<vmem>>, vector<1x16xf32>,
      %swap3A_88 = vector.shape_cast %swap3A_87 : vector<1x16xf32> to vector<16xf32>
      %swap3A_89 = vector.shape_cast %scan3A_77#1 : vector<16xf32> to vector<1x16xf32>
      tpu.vector_store %arg8[%swap3A_85, %swap3A_86], %swap3A_89 {strides = array<i32>} : memref<4x128xf32, #tpu.memory_space<vmem>>, vector<1x16xf32>,
      %swap3A_90 = arith.constant 0 : i32
      %swap3A_91 = arith.index_cast %swap3A_90 : i32 to index
      %swap3A_92 = arith.constant 32 : index
      %swap3A_93 = tpu.vector_load %arg8[%swap3A_91, %swap3A_92] {strides = array<i32>} : memref<4x128xf32, #tpu.memory_space<vmem>>, vector<1x16xf32>,
      %swap3A_94 = vector.shape_cast %swap3A_93 : vector<1x16xf32> to vector<16xf32>
      %swap3A_95 = vector.shape_cast %scan3A_77#2 : vector<16xf32> to vector<1x16xf32>
      tpu.vector_store %arg8[%swap3A_91, %swap3A_92], %swap3A_95 {strides = array<i32>} : memref<4x128xf32, #tpu.memory_space<vmem>>, vector<1x16xf32>,
      %swap3A_96 = arith.constant 0 : i32
      %swap3A_97 = arith.index_cast %swap3A_96 : i32 to index
      %swap3A_98 = arith.constant 48 : index
      %swap3A_99 = tpu.vector_load %arg8[%swap3A_97, %swap3A_98] {strides = array<i32>} : memref<4x128xf32, #tpu.memory_space<vmem>>, vector<1x16xf32>,
      %swap3A_100 = vector.shape_cast %swap3A_99 : vector<1x16xf32> to vector<16xf32>
      %swap3A_101 = vector.shape_cast %scan3A_77#3 : vector<16xf32> to vector<1x16xf32>
      tpu.vector_store %arg8[%swap3A_97, %swap3A_98], %swap3A_101 {strides = array<i32>} : memref<4x128xf32, #tpu.memory_space<vmem>>, vector<1x16xf32>,
      %swap3A_102 = arith.constant 0 : i32
      %swap3A_103 = arith.index_cast %swap3A_102 : i32 to index
      %swap3A_104 = arith.constant 64 : index
      %swap3A_105 = tpu.vector_load %arg8[%swap3A_103, %swap3A_104] {strides = array<i32>} : memref<4x128xf32, #tpu.memory_space<vmem>>, vector<1x16xf32>,
      %swap3A_106 = vector.shape_cast %swap3A_105 : vector<1x16xf32> to vector<16xf32>
      %swap3A_107 = vector.shape_cast %scan3A_77#4 : vector<16xf32> to vector<1x16xf32>
      tpu.vector_store %arg8[%swap3A_103, %swap3A_104], %swap3A_107 {strides = array<i32>} : memref<4x128xf32, #tpu.memory_space<vmem>>, vector<1x16xf32>,
      %swap3A_108 = arith.constant 0 : i32
      %swap3A_109 = arith.index_cast %swap3A_108 : i32 to index
      %swap3A_110 = arith.constant 80 : index
      %swap3A_111 = tpu.vector_load %arg8[%swap3A_109, %swap3A_110] {strides = array<i32>} : memref<4x128xf32, #tpu.memory_space<vmem>>, vector<1x16xf32>,
      %swap3A_112 = vector.shape_cast %swap3A_111 : vector<1x16xf32> to vector<16xf32>
      %swap3A_113 = vector.shape_cast %scan3A_77#5 : vector<16xf32> to vector<1x16xf32>
      tpu.vector_store %arg8[%swap3A_109, %swap3A_110], %swap3A_113 {strides = array<i32>} : memref<4x128xf32, #tpu.memory_space<vmem>>, vector<1x16xf32>,
      %swap3A_114 = arith.constant 0 : i32
      %swap3A_115 = arith.index_cast %swap3A_114 : i32 to index
      %swap3A_116 = arith.constant 96 : index
      %swap3A_117 = tpu.vector_load %arg8[%swap3A_115, %swap3A_116] {strides = array<i32>} : memref<4x128xf32, #tpu.memory_space<vmem>>, vector<1x16xf32>,
      %swap3A_118 = vector.shape_cast %swap3A_117 : vector<1x16xf32> to vector<16xf32>
      %swap3A_119 = vector.shape_cast %scan3A_77#6 : vector<16xf32> to vector<1x16xf32>
      tpu.vector_store %arg8[%swap3A_115, %swap3A_116], %swap3A_119 {strides = array<i32>} : memref<4x128xf32, #tpu.memory_space<vmem>>, vector<1x16xf32>,
      %swap3A_120 = arith.constant 0 : i32
      %swap3A_121 = arith.index_cast %swap3A_120 : i32 to index
      %swap3A_122 = arith.constant 112 : index
      %swap3A_123 = tpu.vector_load %arg8[%swap3A_121, %swap3A_122] {strides = array<i32>} : memref<4x128xf32, #tpu.memory_space<vmem>>, vector<1x16xf32>,
      %swap3A_124 = vector.shape_cast %swap3A_123 : vector<1x16xf32> to vector<16xf32>
      %swap3A_125 = vector.shape_cast %scan3A_77#7 : vector<16xf32> to vector<1x16xf32>
      tpu.vector_store %arg8[%swap3A_121, %swap3A_122], %swap3A_125 {strides = array<i32>} : memref<4x128xf32, #tpu.memory_space<vmem>>, vector<1x16xf32>,
      %get3A_126 = arith.constant 32 : i32
      %get3A_127 = arith.index_cast %get3A_126 : i32 to index
      %get3A_128 = arith.constant 0 : index
      %get3A_129 = tpu.vector_load %arg6[%get3A_127, %get3A_128] {strides = array<i32>} : memref<128x128xf32, #tpu.memory_space<vmem>>, vector<1x16xf32>,
      %get3A_130 = vector.shape_cast %get3A_129 : vector<1x16xf32> to vector<16xf32>
      %get3A_131 = arith.constant 32 : i32
      %get3A_132 = arith.index_cast %get3A_131 : i32 to index
      %get3A_133 = arith.constant 16 : index
      %get3A_134 = tpu.vector_load %arg6[%get3A_132, %get3A_133] {strides = array<i32>} : memref<128x128xf32, #tpu.memory_space<vmem>>, vector<1x16xf32>,
      %get3A_135 = vector.shape_cast %get3A_134 : vector<1x16xf32> to vector<16xf32>
      %get3A_136 = arith.constant 32 : i32
      %get3A_137 = arith.index_cast %get3A_136 : i32 to index
      %get3A_138 = arith.constant 32 : index
      %get3A_139 = tpu.vector_load %arg6[%get3A_137, %get3A_138] {strides = array<i32>} : memref<128x128xf32, #tpu.memory_space<vmem>>, vector<1x16xf32>,
      %get3A_140 = vector.shape_cast %get3A_139 : vector<1x16xf32> to vector<16xf32>
      %get3A_141 = arith.constant 32 : i32
      %get3A_142 = arith.index_cast %get3A_141 : i32 to index
      %get3A_143 = arith.constant 48 : index
      %get3A_144 = tpu.vector_load %arg6[%get3A_142, %get3A_143] {strides = array<i32>} : memref<128x128xf32, #tpu.memory_space<vmem>>, vector<1x16xf32>,
      %get3A_145 = vector.shape_cast %get3A_144 : vector<1x16xf32> to vector<16xf32>
      %get3A_146 = arith.constant 32 : i32
      %get3A_147 = arith.index_cast %get3A_146 : i32 to index
      %get3A_148 = arith.constant 64 : index
      %get3A_149 = tpu.vector_load %arg6[%get3A_147, %get3A_148] {strides = array<i32>} : memref<128x128xf32, #tpu.memory_space<vmem>>, vector<1x16xf32>,
      %get3A_150 = vector.shape_cast %get3A_149 : vector<1x16xf32> to vector<16xf32>
      %get3A_151 = arith.constant 32 : i32
      %get3A_152 = arith.index_cast %get3A_151 : i32 to index
      %get3A_153 = arith.constant 80 : index
      %get3A_154 = tpu.vector_load %arg6[%get3A_152, %get3A_153] {strides = array<i32>} : memref<128x128xf32, #tpu.memory_space<vmem>>, vector<1x16xf32>,
      %get3A_155 = vector.shape_cast %get3A_154 : vector<1x16xf32> to vector<16xf32>
      %get3A_156 = arith.constant 32 : i32
      %get3A_157 = arith.index_cast %get3A_156 : i32 to index
      %get3A_158 = arith.constant 96 : index
      %get3A_159 = tpu.vector_load %arg6[%get3A_157, %get3A_158] {strides = array<i32>} : memref<128x128xf32, #tpu.memory_space<vmem>>, vector<1x16xf32>,
      %get3A_160 = vector.shape_cast %get3A_159 : vector<1x16xf32> to vector<16xf32>
      %get3A_161 = arith.constant 32 : i32
      %get3A_162 = arith.index_cast %get3A_161 : i32 to index
      %get3A_163 = arith.constant 112 : index
      %get3A_164 = tpu.vector_load %arg6[%get3A_162, %get3A_163] {strides = array<i32>} : memref<128x128xf32, #tpu.memory_space<vmem>>, vector<1x16xf32>,
      %get3A_165 = vector.shape_cast %get3A_164 : vector<1x16xf32> to vector<16xf32>
      %scan3A_166 = arith.constant 1 : i32
      %scan3A_167 = arith.constant 31 : i32
      %scan3A_168 = arith.addi %scan3A_166, %scan3A_167 : i32
      %scan3A_169 = arith.constant 1 : i32
      %scan3A_170:8 = scf.for %scan3A_821 = %scan3A_166 to %scan3A_168 step %scan3A_169 iter_args(%scan3A_822 = %get3A_130, %scan3A_823 = %get3A_135, %scan3A_824 = %get3A_140, %scan3A_825 = %get3A_145, %scan3A_826 = %get3A_150, %scan3A_827 = %get3A_155, %scan3A_828 = %get3A_160, %scan3A_829 = %get3A_165) -> (vector<16xf32>, vector<16xf32>, vector<16xf32>, vector<16xf32>, vector<16xf32>, vector<16xf32>, vector<16xf32>, vector<16xf32>)  : i32 {
        %add3A_830 = arith.constant 32 : i32
        %add3A_831 = arith.addi %add3A_830, %scan3A_821 : i32
        %get3A_832 = arith.index_cast %add3A_831 : i32 to index
        %get3A_833 = arith.constant 0 : index
        %get3A_834 = tpu.vector_load %arg6[%get3A_832, %get3A_833] {strides = array<i32>} : memref<128x128xf32, #tpu.memory_space<vmem>>, vector<1x16xf32>,
        %get3A_835 = vector.shape_cast %get3A_834 : vector<1x16xf32> to vector<16xf32>
        %max3A = arith.maximumf %scan3A_822, %get3A_835 : vector<16xf32>
        %add3A_836 = arith.constant 32 : i32
        %add3A_837 = arith.addi %add3A_836, %scan3A_821 : i32
        %get3A_838 = arith.index_cast %add3A_837 : i32 to index
        %get3A_839 = arith.constant 16 : index
        %get3A_840 = tpu.vector_load %arg6[%get3A_838, %get3A_839] {strides = array<i32>} : memref<128x128xf32, #tpu.memory_space<vmem>>, vector<1x16xf32>,
        %get3A_841 = vector.shape_cast %get3A_840 : vector<1x16xf32> to vector<16xf32>
        %max3A_842 = arith.maximumf %scan3A_823, %get3A_841 : vector<16xf32>
        %add3A_843 = arith.constant 32 : i32
        %add3A_844 = arith.addi %add3A_843, %scan3A_821 : i32
        %get3A_845 = arith.index_cast %add3A_844 : i32 to index
        %get3A_846 = arith.constant 32 : index
        %get3A_847 = tpu.vector_load %arg6[%get3A_845, %get3A_846] {strides = array<i32>} : memref<128x128xf32, #tpu.memory_space<vmem>>, vector<1x16xf32>,
        %get3A_848 = vector.shape_cast %get3A_847 : vector<1x16xf32> to vector<16xf32>
        %max3A_849 = arith.maximumf %scan3A_824, %get3A_848 : vector<16xf32>
        %add3A_850 = arith.constant 32 : i32
        %add3A_851 = arith.addi %add3A_850, %scan3A_821 : i32
        %get3A_852 = arith.index_cast %add3A_851 : i32 to index
        %get3A_853 = arith.constant 48 : index
        %get3A_854 = tpu.vector_load %arg6[%get3A_852, %get3A_853] {strides = array<i32>} : memref<128x128xf32, #tpu.memory_space<vmem>>, vector<1x16xf32>,
        %get3A_855 = vector.shape_cast %get3A_854 : vector<1x16xf32> to vector<16xf32>
        %max3A_856 = arith.maximumf %scan3A_825, %get3A_855 : vector<16xf32>
        %add3A_857 = arith.constant 32 : i32
        %add3A_858 = arith.addi %add3A_857, %scan3A_821 : i32
        %get3A_859 = arith.index_cast %add3A_858 : i32 to index
        %get3A_860 = arith.constant 64 : index
        %get3A_861 = tpu.vector_load %arg6[%get3A_859, %get3A_860] {strides = array<i32>} : memref<128x128xf32, #tpu.memory_space<vmem>>, vector<1x16xf32>,
        %get3A_862 = vector.shape_cast %get3A_861 : vector<1x16xf32> to vector<16xf32>
        %max3A_863 = arith.maximumf %scan3A_826, %get3A_862 : vector<16xf32>
        %add3A_864 = arith.constant 32 : i32
        %add3A_865 = arith.addi %add3A_864, %scan3A_821 : i32
        %get3A_866 = arith.index_cast %add3A_865 : i32 to index
        %get3A_867 = arith.constant 80 : index
        %get3A_868 = tpu.vector_load %arg6[%get3A_866, %get3A_867] {strides = array<i32>} : memref<128x128xf32, #tpu.memory_space<vmem>>, vector<1x16xf32>,
        %get3A_869 = vector.shape_cast %get3A_868 : vector<1x16xf32> to vector<16xf32>
        %max3A_870 = arith.maximumf %scan3A_827, %get3A_869 : vector<16xf32>
        %add3A_871 = arith.constant 32 : i32
        %add3A_872 = arith.addi %add3A_871, %scan3A_821 : i32
        %get3A_873 = arith.index_cast %add3A_872 : i32 to index
        %get3A_874 = arith.constant 96 : index
        %get3A_875 = tpu.vector_load %arg6[%get3A_873, %get3A_874] {strides = array<i32>} : memref<128x128xf32, #tpu.memory_space<vmem>>, vector<1x16xf32>,
        %get3A_876 = vector.shape_cast %get3A_875 : vector<1x16xf32> to vector<16xf32>
        %max3A_877 = arith.maximumf %scan3A_828, %get3A_876 : vector<16xf32>
        %add3A_878 = arith.constant 32 : i32
        %add3A_879 = arith.addi %add3A_878, %scan3A_821 : i32
        %get3A_880 = arith.index_cast %add3A_879 : i32 to index
        %get3A_881 = arith.constant 112 : index
        %get3A_882 = tpu.vector_load %arg6[%get3A_880, %get3A_881] {strides = array<i32>} : memref<128x128xf32, #tpu.memory_space<vmem>>, vector<1x16xf32>,
        %get3A_883 = vector.shape_cast %get3A_882 : vector<1x16xf32> to vector<16xf32>
        %max3A_884 = arith.maximumf %scan3A_829, %get3A_883 : vector<16xf32>
        scf.yield %max3A, %max3A_842, %max3A_849, %max3A_856, %max3A_863, %max3A_870, %max3A_877, %max3A_884 : vector<16xf32>, vector<16xf32>, vector<16xf32>, vector<16xf32>, vector<16xf32>, vector<16xf32>, vector<16xf32>, vector<16xf32>
      }
      %scan3A_171 = arith.constant 31 : i32
      %swap3A_172 = arith.constant 1 : i32
      %swap3A_173 = arith.index_cast %swap3A_172 : i32 to index
      %swap3A_174 = arith.constant 0 : index
      %swap3A_175 = tpu.vector_load %arg8[%swap3A_173, %swap3A_174] {strides = array<i32>} : memref<4x128xf32, #tpu.memory_space<vmem>>, vector<1x16xf32>,
      %swap3A_176 = vector.shape_cast %swap3A_175 : vector<1x16xf32> to vector<16xf32>
      %swap3A_177 = vector.shape_cast %scan3A_170#0 : vector<16xf32> to vector<1x16xf32>
      tpu.vector_store %arg8[%swap3A_173, %swap3A_174], %swap3A_177 {strides = array<i32>} : memref<4x128xf32, #tpu.memory_space<vmem>>, vector<1x16xf32>,
      %swap3A_178 = arith.constant 1 : i32
      %swap3A_179 = arith.index_cast %swap3A_178 : i32 to index
      %swap3A_180 = arith.constant 16 : index
      %swap3A_181 = tpu.vector_load %arg8[%swap3A_179, %swap3A_180] {strides = array<i32>} : memref<4x128xf32, #tpu.memory_space<vmem>>, vector<1x16xf32>,
      %swap3A_182 = vector.shape_cast %swap3A_181 : vector<1x16xf32> to vector<16xf32>
      %swap3A_183 = vector.shape_cast %scan3A_170#1 : vector<16xf32> to vector<1x16xf32>
      tpu.vector_store %arg8[%swap3A_179, %swap3A_180], %swap3A_183 {strides = array<i32>} : memref<4x128xf32, #tpu.memory_space<vmem>>, vector<1x16xf32>,
      %swap3A_184 = arith.constant 1 : i32
      %swap3A_185 = arith.index_cast %swap3A_184 : i32 to index
      %swap3A_186 = arith.constant 32 : index
      %swap3A_187 = tpu.vector_load %arg8[%swap3A_185, %swap3A_186] {strides = array<i32>} : memref<4x128xf32, #tpu.memory_space<vmem>>, vector<1x16xf32>,
      %swap3A_188 = vector.shape_cast %swap3A_187 : vector<1x16xf32> to vector<16xf32>
      %swap3A_189 = vector.shape_cast %scan3A_170#2 : vector<16xf32> to vector<1x16xf32>
      tpu.vector_store %arg8[%swap3A_185, %swap3A_186], %swap3A_189 {strides = array<i32>} : memref<4x128xf32, #tpu.memory_space<vmem>>, vector<1x16xf32>,
      %swap3A_190 = arith.constant 1 : i32
      %swap3A_191 = arith.index_cast %swap3A_190 : i32 to index
      %swap3A_192 = arith.constant 48 : index
      %swap3A_193 = tpu.vector_load %arg8[%swap3A_191, %swap3A_192] {strides = array<i32>} : memref<4x128xf32, #tpu.memory_space<vmem>>, vector<1x16xf32>,
      %swap3A_194 = vector.shape_cast %swap3A_193 : vector<1x16xf32> to vector<16xf32>
      %swap3A_195 = vector.shape_cast %scan3A_170#3 : vector<16xf32> to vector<1x16xf32>
      tpu.vector_store %arg8[%swap3A_191, %swap3A_192], %swap3A_195 {strides = array<i32>} : memref<4x128xf32, #tpu.memory_space<vmem>>, vector<1x16xf32>,
      %swap3A_196 = arith.constant 1 : i32
      %swap3A_197 = arith.index_cast %swap3A_196 : i32 to index
      %swap3A_198 = arith.constant 64 : index
      %swap3A_199 = tpu.vector_load %arg8[%swap3A_197, %swap3A_198] {strides = array<i32>} : memref<4x128xf32, #tpu.memory_space<vmem>>, vector<1x16xf32>,
      %swap3A_200 = vector.shape_cast %swap3A_199 : vector<1x16xf32> to vector<16xf32>
      %swap3A_201 = vector.shape_cast %scan3A_170#4 : vector<16xf32> to vector<1x16xf32>
      tpu.vector_store %arg8[%swap3A_197, %swap3A_198], %swap3A_201 {strides = array<i32>} : memref<4x128xf32, #tpu.memory_space<vmem>>, vector<1x16xf32>,
      %swap3A_202 = arith.constant 1 : i32
      %swap3A_203 = arith.index_cast %swap3A_202 : i32 to index
      %swap3A_204 = arith.constant 80 : index
      %swap3A_205 = tpu.vector_load %arg8[%swap3A_203, %swap3A_204] {strides = array<i32>} : memref<4x128xf32, #tpu.memory_space<vmem>>, vector<1x16xf32>,
      %swap3A_206 = vector.shape_cast %swap3A_205 : vector<1x16xf32> to vector<16xf32>
      %swap3A_207 = vector.shape_cast %scan3A_170#5 : vector<16xf32> to vector<1x16xf32>
      tpu.vector_store %arg8[%swap3A_203, %swap3A_204], %swap3A_207 {strides = array<i32>} : memref<4x128xf32, #tpu.memory_space<vmem>>, vector<1x16xf32>,
      %swap3A_208 = arith.constant 1 : i32
      %swap3A_209 = arith.index_cast %swap3A_208 : i32 to index
      %swap3A_210 = arith.constant 96 : index
      %swap3A_211 = tpu.vector_load %arg8[%swap3A_209, %swap3A_210] {strides = array<i32>} : memref<4x128xf32, #tpu.memory_space<vmem>>, vector<1x16xf32>,
      %swap3A_212 = vector.shape_cast %swap3A_211 : vector<1x16xf32> to vector<16xf32>
      %swap3A_213 = vector.shape_cast %scan3A_170#6 : vector<16xf32> to vector<1x16xf32>
      tpu.vector_store %arg8[%swap3A_209, %swap3A_210], %swap3A_213 {strides = array<i32>} : memref<4x128xf32, #tpu.memory_space<vmem>>, vector<1x16xf32>,
      %swap3A_214 = arith.constant 1 : i32
      %swap3A_215 = arith.index_cast %swap3A_214 : i32 to index
      %swap3A_216 = arith.constant 112 : index
      %swap3A_217 = tpu.vector_load %arg8[%swap3A_215, %swap3A_216] {strides = array<i32>} : memref<4x128xf32, #tpu.memory_space<vmem>>, vector<1x16xf32>,
      %swap3A_218 = vector.shape_cast %swap3A_217 : vector<1x16xf32> to vector<16xf32>
      %swap3A_219 = vector.shape_cast %scan3A_170#7 : vector<16xf32> to vector<1x16xf32>
      tpu.vector_store %arg8[%swap3A_215, %swap3A_216], %swap3A_219 {strides = array<i32>} : memref<4x128xf32, #tpu.memory_space<vmem>>, vector<1x16xf32>,
      %get3A_220 = arith.constant 64 : i32
      %get3A_221 = arith.index_cast %get3A_220 : i32 to index
      %get3A_222 = arith.constant 0 : index
      %get3A_223 = tpu.vector_load %arg6[%get3A_221, %get3A_222] {strides = array<i32>} : memref<128x128xf32, #tpu.memory_space<vmem>>, vector<1x16xf32>,
      %get3A_224 = vector.shape_cast %get3A_223 : vector<1x16xf32> to vector<16xf32>
      %get3A_225 = arith.constant 64 : i32
      %get3A_226 = arith.index_cast %get3A_225 : i32 to index
      %get3A_227 = arith.constant 16 : index
      %get3A_228 = tpu.vector_load %arg6[%get3A_226, %get3A_227] {strides = array<i32>} : memref<128x128xf32, #tpu.memory_space<vmem>>, vector<1x16xf32>,
      %get3A_229 = vector.shape_cast %get3A_228 : vector<1x16xf32> to vector<16xf32>
      %get3A_230 = arith.constant 64 : i32
      %get3A_231 = arith.index_cast %get3A_230 : i32 to index
      %get3A_232 = arith.constant 32 : index
      %get3A_233 = tpu.vector_load %arg6[%get3A_231, %get3A_232] {strides = array<i32>} : memref<128x128xf32, #tpu.memory_space<vmem>>, vector<1x16xf32>,
      %get3A_234 = vector.shape_cast %get3A_233 : vector<1x16xf32> to vector<16xf32>
      %get3A_235 = arith.constant 64 : i32
      %get3A_236 = arith.index_cast %get3A_235 : i32 to index
      %get3A_237 = arith.constant 48 : index
      %get3A_238 = tpu.vector_load %arg6[%get3A_236, %get3A_237] {strides = array<i32>} : memref<128x128xf32, #tpu.memory_space<vmem>>, vector<1x16xf32>,
      %get3A_239 = vector.shape_cast %get3A_238 : vector<1x16xf32> to vector<16xf32>
      %get3A_240 = arith.constant 64 : i32
      %get3A_241 = arith.index_cast %get3A_240 : i32 to index
      %get3A_242 = arith.constant 64 : index
      %get3A_243 = tpu.vector_load %arg6[%get3A_241, %get3A_242] {strides = array<i32>} : memref<128x128xf32, #tpu.memory_space<vmem>>, vector<1x16xf32>,
      %get3A_244 = vector.shape_cast %get3A_243 : vector<1x16xf32> to vector<16xf32>
      %get3A_245 = arith.constant 64 : i32
      %get3A_246 = arith.index_cast %get3A_245 : i32 to index
      %get3A_247 = arith.constant 80 : index
      %get3A_248 = tpu.vector_load %arg6[%get3A_246, %get3A_247] {strides = array<i32>} : memref<128x128xf32, #tpu.memory_space<vmem>>, vector<1x16xf32>,
      %get3A_249 = vector.shape_cast %get3A_248 : vector<1x16xf32> to vector<16xf32>
      %get3A_250 = arith.constant 64 : i32
      %get3A_251 = arith.index_cast %get3A_250 : i32 to index
      %get3A_252 = arith.constant 96 : index
      %get3A_253 = tpu.vector_load %arg6[%get3A_251, %get3A_252] {strides = array<i32>} : memref<128x128xf32, #tpu.memory_space<vmem>>, vector<1x16xf32>,
      %get3A_254 = vector.shape_cast %get3A_253 : vector<1x16xf32> to vector<16xf32>
      %get3A_255 = arith.constant 64 : i32
      %get3A_256 = arith.index_cast %get3A_255 : i32 to index
      %get3A_257 = arith.constant 112 : index
      %get3A_258 = tpu.vector_load %arg6[%get3A_256, %get3A_257] {strides = array<i32>} : memref<128x128xf32, #tpu.memory_space<vmem>>, vector<1x16xf32>,
      %get3A_259 = vector.shape_cast %get3A_258 : vector<1x16xf32> to vector<16xf32>
      %scan3A_260 = arith.constant 1 : i32
      %scan3A_261 = arith.constant 31 : i32
      %scan3A_262 = arith.addi %scan3A_260, %scan3A_261 : i32
      %scan3A_263 = arith.constant 1 : i32
      %scan3A_264:8 = scf.for %scan3A_821 = %scan3A_260 to %scan3A_262 step %scan3A_263 iter_args(%scan3A_822 = %get3A_224, %scan3A_823 = %get3A_229, %scan3A_824 = %get3A_234, %scan3A_825 = %get3A_239, %scan3A_826 = %get3A_244, %scan3A_827 = %get3A_249, %scan3A_828 = %get3A_254, %scan3A_829 = %get3A_259) -> (vector<16xf32>, vector<16xf32>, vector<16xf32>, vector<16xf32>, vector<16xf32>, vector<16xf32>, vector<16xf32>, vector<16xf32>)  : i32 {
        %add3A_830 = arith.constant 64 : i32
        %add3A_831 = arith.addi %add3A_830, %scan3A_821 : i32
        %get3A_832 = arith.index_cast %add3A_831 : i32 to index
        %get3A_833 = arith.constant 0 : index
        %get3A_834 = tpu.vector_load %arg6[%get3A_832, %get3A_833] {strides = array<i32>} : memref<128x128xf32, #tpu.memory_space<vmem>>, vector<1x16xf32>,
        %get3A_835 = vector.shape_cast %get3A_834 : vector<1x16xf32> to vector<16xf32>
        %max3A = arith.maximumf %scan3A_822, %get3A_835 : vector<16xf32>
        %add3A_836 = arith.constant 64 : i32
        %add3A_837 = arith.addi %add3A_836, %scan3A_821 : i32
        %get3A_838 = arith.index_cast %add3A_837 : i32 to index
        %get3A_839 = arith.constant 16 : index
        %get3A_840 = tpu.vector_load %arg6[%get3A_838, %get3A_839] {strides = array<i32>} : memref<128x128xf32, #tpu.memory_space<vmem>>, vector<1x16xf32>,
        %get3A_841 = vector.shape_cast %get3A_840 : vector<1x16xf32> to vector<16xf32>
        %max3A_842 = arith.maximumf %scan3A_823, %get3A_841 : vector<16xf32>
        %add3A_843 = arith.constant 64 : i32
        %add3A_844 = arith.addi %add3A_843, %scan3A_821 : i32
        %get3A_845 = arith.index_cast %add3A_844 : i32 to index
        %get3A_846 = arith.constant 32 : index
        %get3A_847 = tpu.vector_load %arg6[%get3A_845, %get3A_846] {strides = array<i32>} : memref<128x128xf32, #tpu.memory_space<vmem>>, vector<1x16xf32>,
        %get3A_848 = vector.shape_cast %get3A_847 : vector<1x16xf32> to vector<16xf32>
        %max3A_849 = arith.maximumf %scan3A_824, %get3A_848 : vector<16xf32>
        %add3A_850 = arith.constant 64 : i32
        %add3A_851 = arith.addi %add3A_850, %scan3A_821 : i32
        %get3A_852 = arith.index_cast %add3A_851 : i32 to index
        %get3A_853 = arith.constant 48 : index
        %get3A_854 = tpu.vector_load %arg6[%get3A_852, %get3A_853] {strides = array<i32>} : memref<128x128xf32, #tpu.memory_space<vmem>>, vector<1x16xf32>,
        %get3A_855 = vector.shape_cast %get3A_854 : vector<1x16xf32> to vector<16xf32>
        %max3A_856 = arith.maximumf %scan3A_825, %get3A_855 : vector<16xf32>
        %add3A_857 = arith.constant 64 : i32
        %add3A_858 = arith.addi %add3A_857, %scan3A_821 : i32
        %get3A_859 = arith.index_cast %add3A_858 : i32 to index
        %get3A_860 = arith.constant 64 : index
        %get3A_861 = tpu.vector_load %arg6[%get3A_859, %get3A_860] {strides = array<i32>} : memref<128x128xf32, #tpu.memory_space<vmem>>, vector<1x16xf32>,
        %get3A_862 = vector.shape_cast %get3A_861 : vector<1x16xf32> to vector<16xf32>
        %max3A_863 = arith.maximumf %scan3A_826, %get3A_862 : vector<16xf32>
        %add3A_864 = arith.constant 64 : i32
        %add3A_865 = arith.addi %add3A_864, %scan3A_821 : i32
        %get3A_866 = arith.index_cast %add3A_865 : i32 to index
        %get3A_867 = arith.constant 80 : index
        %get3A_868 = tpu.vector_load %arg6[%get3A_866, %get3A_867] {strides = array<i32>} : memref<128x128xf32, #tpu.memory_space<vmem>>, vector<1x16xf32>,
        %get3A_869 = vector.shape_cast %get3A_868 : vector<1x16xf32> to vector<16xf32>
        %max3A_870 = arith.maximumf %scan3A_827, %get3A_869 : vector<16xf32>
        %add3A_871 = arith.constant 64 : i32
        %add3A_872 = arith.addi %add3A_871, %scan3A_821 : i32
        %get3A_873 = arith.index_cast %add3A_872 : i32 to index
        %get3A_874 = arith.constant 96 : index
        %get3A_875 = tpu.vector_load %arg6[%get3A_873, %get3A_874] {strides = array<i32>} : memref<128x128xf32, #tpu.memory_space<vmem>>, vector<1x16xf32>,
        %get3A_876 = vector.shape_cast %get3A_875 : vector<1x16xf32> to vector<16xf32>
        %max3A_877 = arith.maximumf %scan3A_828, %get3A_876 : vector<16xf32>
        %add3A_878 = arith.constant 64 : i32
        %add3A_879 = arith.addi %add3A_878, %scan3A_821 : i32
        %get3A_880 = arith.index_cast %add3A_879 : i32 to index
        %get3A_881 = arith.constant 112 : index
        %get3A_882 = tpu.vector_load %arg6[%get3A_880, %get3A_881] {strides = array<i32>} : memref<128x128xf32, #tpu.memory_space<vmem>>, vector<1x16xf32>,
        %get3A_883 = vector.shape_cast %get3A_882 : vector<1x16xf32> to vector<16xf32>
        %max3A_884 = arith.maximumf %scan3A_829, %get3A_883 : vector<16xf32>
        scf.yield %max3A, %max3A_842, %max3A_849, %max3A_856, %max3A_863, %max3A_870, %max3A_877, %max3A_884 : vector<16xf32>, vector<16xf32>, vector<16xf32>, vector<16xf32>, vector<16xf32>, vector<16xf32>, vector<16xf32>, vector<16xf32>
      }
      %scan3A_265 = arith.constant 31 : i32
      %swap3A_266 = arith.constant 2 : i32
      %swap3A_267 = arith.index_cast %swap3A_266 : i32 to index
      %swap3A_268 = arith.constant 0 : index
      %swap3A_269 = tpu.vector_load %arg8[%swap3A_267, %swap3A_268] {strides = array<i32>} : memref<4x128xf32, #tpu.memory_space<vmem>>, vector<1x16xf32>,
      %swap3A_270 = vector.shape_cast %swap3A_269 : vector<1x16xf32> to vector<16xf32>
      %swap3A_271 = vector.shape_cast %scan3A_264#0 : vector<16xf32> to vector<1x16xf32>
      tpu.vector_store %arg8[%swap3A_267, %swap3A_268], %swap3A_271 {strides = array<i32>} : memref<4x128xf32, #tpu.memory_space<vmem>>, vector<1x16xf32>,
      %swap3A_272 = arith.constant 2 : i32
      %swap3A_273 = arith.index_cast %swap3A_272 : i32 to index
      %swap3A_274 = arith.constant 16 : index
      %swap3A_275 = tpu.vector_load %arg8[%swap3A_273, %swap3A_274] {strides = array<i32>} : memref<4x128xf32, #tpu.memory_space<vmem>>, vector<1x16xf32>,
      %swap3A_276 = vector.shape_cast %swap3A_275 : vector<1x16xf32> to vector<16xf32>
      %swap3A_277 = vector.shape_cast %scan3A_264#1 : vector<16xf32> to vector<1x16xf32>
      tpu.vector_store %arg8[%swap3A_273, %swap3A_274], %swap3A_277 {strides = array<i32>} : memref<4x128xf32, #tpu.memory_space<vmem>>, vector<1x16xf32>,
      %swap3A_278 = arith.constant 2 : i32
      %swap3A_279 = arith.index_cast %swap3A_278 : i32 to index
      %swap3A_280 = arith.constant 32 : index
      %swap3A_281 = tpu.vector_load %arg8[%swap3A_279, %swap3A_280] {strides = array<i32>} : memref<4x128xf32, #tpu.memory_space<vmem>>, vector<1x16xf32>,
      %swap3A_282 = vector.shape_cast %swap3A_281 : vector<1x16xf32> to vector<16xf32>
      %swap3A_283 = vector.shape_cast %scan3A_264#2 : vector<16xf32> to vector<1x16xf32>
      tpu.vector_store %arg8[%swap3A_279, %swap3A_280], %swap3A_283 {strides = array<i32>} : memref<4x128xf32, #tpu.memory_space<vmem>>, vector<1x16xf32>,
      %swap3A_284 = arith.constant 2 : i32
      %swap3A_285 = arith.index_cast %swap3A_284 : i32 to index
      %swap3A_286 = arith.constant 48 : index
      %swap3A_287 = tpu.vector_load %arg8[%swap3A_285, %swap3A_286] {strides = array<i32>} : memref<4x128xf32, #tpu.memory_space<vmem>>, vector<1x16xf32>,
      %swap3A_288 = vector.shape_cast %swap3A_287 : vector<1x16xf32> to vector<16xf32>
      %swap3A_289 = vector.shape_cast %scan3A_264#3 : vector<16xf32> to vector<1x16xf32>
      tpu.vector_store %arg8[%swap3A_285, %swap3A_286], %swap3A_289 {strides = array<i32>} : memref<4x128xf32, #tpu.memory_space<vmem>>, vector<1x16xf32>,
      %swap3A_290 = arith.constant 2 : i32
      %swap3A_291 = arith.index_cast %swap3A_290 : i32 to index
      %swap3A_292 = arith.constant 64 : index
      %swap3A_293 = tpu.vector_load %arg8[%swap3A_291, %swap3A_292] {strides = array<i32>} : memref<4x128xf32, #tpu.memory_space<vmem>>, vector<1x16xf32>,
      %swap3A_294 = vector.shape_cast %swap3A_293 : vector<1x16xf32> to vector<16xf32>
      %swap3A_295 = vector.shape_cast %scan3A_264#4 : vector<16xf32> to vector<1x16xf32>
      tpu.vector_store %arg8[%swap3A_291, %swap3A_292], %swap3A_295 {strides = array<i32>} : memref<4x128xf32, #tpu.memory_space<vmem>>, vector<1x16xf32>,
      %swap3A_296 = arith.constant 2 : i32
      %swap3A_297 = arith.index_cast %swap3A_296 : i32 to index
      %swap3A_298 = arith.constant 80 : index
      %swap3A_299 = tpu.vector_load %arg8[%swap3A_297, %swap3A_298] {strides = array<i32>} : memref<4x128xf32, #tpu.memory_space<vmem>>, vector<1x16xf32>,
      %swap3A_300 = vector.shape_cast %swap3A_299 : vector<1x16xf32> to vector<16xf32>
      %swap3A_301 = vector.shape_cast %scan3A_264#5 : vector<16xf32> to vector<1x16xf32>
      tpu.vector_store %arg8[%swap3A_297, %swap3A_298], %swap3A_301 {strides = array<i32>} : memref<4x128xf32, #tpu.memory_space<vmem>>, vector<1x16xf32>,
      %swap3A_302 = arith.constant 2 : i32
      %swap3A_303 = arith.index_cast %swap3A_302 : i32 to index
      %swap3A_304 = arith.constant 96 : index
      %swap3A_305 = tpu.vector_load %arg8[%swap3A_303, %swap3A_304] {strides = array<i32>} : memref<4x128xf32, #tpu.memory_space<vmem>>, vector<1x16xf32>,
      %swap3A_306 = vector.shape_cast %swap3A_305 : vector<1x16xf32> to vector<16xf32>
      %swap3A_307 = vector.shape_cast %scan3A_264#6 : vector<16xf32> to vector<1x16xf32>
      tpu.vector_store %arg8[%swap3A_303, %swap3A_304], %swap3A_307 {strides = array<i32>} : memref<4x128xf32, #tpu.memory_space<vmem>>, vector<1x16xf32>,
      %swap3A_308 = arith.constant 2 : i32
      %swap3A_309 = arith.index_cast %swap3A_308 : i32 to index
      %swap3A_310 = arith.constant 112 : index
      %swap3A_311 = tpu.vector_load %arg8[%swap3A_309, %swap3A_310] {strides = array<i32>} : memref<4x128xf32, #tpu.memory_space<vmem>>, vector<1x16xf32>,
      %swap3A_312 = vector.shape_cast %swap3A_311 : vector<1x16xf32> to vector<16xf32>
      %swap3A_313 = vector.shape_cast %scan3A_264#7 : vector<16xf32> to vector<1x16xf32>
      tpu.vector_store %arg8[%swap3A_309, %swap3A_310], %swap3A_313 {strides = array<i32>} : memref<4x128xf32, #tpu.memory_space<vmem>>, vector<1x16xf32>,
      %get3A_314 = arith.constant 96 : i32
      %get3A_315 = arith.index_cast %get3A_314 : i32 to index
      %get3A_316 = arith.constant 0 : index
      %get3A_317 = tpu.vector_load %arg6[%get3A_315, %get3A_316] {strides = array<i32>} : memref<128x128xf32, #tpu.memory_space<vmem>>, vector<1x16xf32>,
      %get3A_318 = vector.shape_cast %get3A_317 : vector<1x16xf32> to vector<16xf32>
      %get3A_319 = arith.constant 96 : i32
      %get3A_320 = arith.index_cast %get3A_319 : i32 to index
      %get3A_321 = arith.constant 16 : index
      %get3A_322 = tpu.vector_load %arg6[%get3A_320, %get3A_321] {strides = array<i32>} : memref<128x128xf32, #tpu.memory_space<vmem>>, vector<1x16xf32>,
      %get3A_323 = vector.shape_cast %get3A_322 : vector<1x16xf32> to vector<16xf32>
      %get3A_324 = arith.constant 96 : i32
      %get3A_325 = arith.index_cast %get3A_324 : i32 to index
      %get3A_326 = arith.constant 32 : index
      %get3A_327 = tpu.vector_load %arg6[%get3A_325, %get3A_326] {strides = array<i32>} : memref<128x128xf32, #tpu.memory_space<vmem>>, vector<1x16xf32>,
      %get3A_328 = vector.shape_cast %get3A_327 : vector<1x16xf32> to vector<16xf32>
      %get3A_329 = arith.constant 96 : i32
      %get3A_330 = arith.index_cast %get3A_329 : i32 to index
      %get3A_331 = arith.constant 48 : index
      %get3A_332 = tpu.vector_load %arg6[%get3A_330, %get3A_331] {strides = array<i32>} : memref<128x128xf32, #tpu.memory_space<vmem>>, vector<1x16xf32>,
      %get3A_333 = vector.shape_cast %get3A_332 : vector<1x16xf32> to vector<16xf32>
      %get3A_334 = arith.constant 96 : i32
      %get3A_335 = arith.index_cast %get3A_334 : i32 to index
      %get3A_336 = arith.constant 64 : index
      %get3A_337 = tpu.vector_load %arg6[%get3A_335, %get3A_336] {strides = array<i32>} : memref<128x128xf32, #tpu.memory_space<vmem>>, vector<1x16xf32>,
      %get3A_338 = vector.shape_cast %get3A_337 : vector<1x16xf32> to vector<16xf32>
      %get3A_339 = arith.constant 96 : i32
      %get3A_340 = arith.index_cast %get3A_339 : i32 to index
      %get3A_341 = arith.constant 80 : index
      %get3A_342 = tpu.vector_load %arg6[%get3A_340, %get3A_341] {strides = array<i32>} : memref<128x128xf32, #tpu.memory_space<vmem>>, vector<1x16xf32>,
      %get3A_343 = vector.shape_cast %get3A_342 : vector<1x16xf32> to vector<16xf32>
      %get3A_344 = arith.constant 96 : i32
      %get3A_345 = arith.index_cast %get3A_344 : i32 to index
      %get3A_346 = arith.constant 96 : index
      %get3A_347 = tpu.vector_load %arg6[%get3A_345, %get3A_346] {strides = array<i32>} : memref<128x128xf32, #tpu.memory_space<vmem>>, vector<1x16xf32>,
      %get3A_348 = vector.shape_cast %get3A_347 : vector<1x16xf32> to vector<16xf32>
      %get3A_349 = arith.constant 96 : i32
      %get3A_350 = arith.index_cast %get3A_349 : i32 to index
      %get3A_351 = arith.constant 112 : index
      %get3A_352 = tpu.vector_load %arg6[%get3A_350, %get3A_351] {strides = array<i32>} : memref<128x128xf32, #tpu.memory_space<vmem>>, vector<1x16xf32>,
      %get3A_353 = vector.shape_cast %get3A_352 : vector<1x16xf32> to vector<16xf32>
      %scan3A_354 = arith.constant 1 : i32
      %scan3A_355 = arith.constant 31 : i32
      %scan3A_356 = arith.addi %scan3A_354, %scan3A_355 : i32
      %scan3A_357 = arith.constant 1 : i32
      %scan3A_358:8 = scf.for %scan3A_821 = %scan3A_354 to %scan3A_356 step %scan3A_357 iter_args(%scan3A_822 = %get3A_318, %scan3A_823 = %get3A_323, %scan3A_824 = %get3A_328, %scan3A_825 = %get3A_333, %scan3A_826 = %get3A_338, %scan3A_827 = %get3A_343, %scan3A_828 = %get3A_348, %scan3A_829 = %get3A_353) -> (vector<16xf32>, vector<16xf32>, vector<16xf32>, vector<16xf32>, vector<16xf32>, vector<16xf32>, vector<16xf32>, vector<16xf32>)  : i32 {
        %add3A_830 = arith.constant 96 : i32
        %add3A_831 = arith.addi %add3A_830, %scan3A_821 : i32
        %get3A_832 = arith.index_cast %add3A_831 : i32 to index
        %get3A_833 = arith.constant 0 : index
        %get3A_834 = tpu.vector_load %arg6[%get3A_832, %get3A_833] {strides = array<i32>} : memref<128x128xf32, #tpu.memory_space<vmem>>, vector<1x16xf32>,
        %get3A_835 = vector.shape_cast %get3A_834 : vector<1x16xf32> to vector<16xf32>
        %max3A = arith.maximumf %scan3A_822, %get3A_835 : vector<16xf32>
        %add3A_836 = arith.constant 96 : i32
        %add3A_837 = arith.addi %add3A_836, %scan3A_821 : i32
        %get3A_838 = arith.index_cast %add3A_837 : i32 to index
        %get3A_839 = arith.constant 16 : index
        %get3A_840 = tpu.vector_load %arg6[%get3A_838, %get3A_839] {strides = array<i32>} : memref<128x128xf32, #tpu.memory_space<vmem>>, vector<1x16xf32>,
        %get3A_841 = vector.shape_cast %get3A_840 : vector<1x16xf32> to vector<16xf32>
        %max3A_842 = arith.maximumf %scan3A_823, %get3A_841 : vector<16xf32>
        %add3A_843 = arith.constant 96 : i32
        %add3A_844 = arith.addi %add3A_843, %scan3A_821 : i32
        %get3A_845 = arith.index_cast %add3A_844 : i32 to index
        %get3A_846 = arith.constant 32 : index
        %get3A_847 = tpu.vector_load %arg6[%get3A_845, %get3A_846] {strides = array<i32>} : memref<128x128xf32, #tpu.memory_space<vmem>>, vector<1x16xf32>,
        %get3A_848 = vector.shape_cast %get3A_847 : vector<1x16xf32> to vector<16xf32>
        %max3A_849 = arith.maximumf %scan3A_824, %get3A_848 : vector<16xf32>
        %add3A_850 = arith.constant 96 : i32
        %add3A_851 = arith.addi %add3A_850, %scan3A_821 : i32
        %get3A_852 = arith.index_cast %add3A_851 : i32 to index
        %get3A_853 = arith.constant 48 : index
        %get3A_854 = tpu.vector_load %arg6[%get3A_852, %get3A_853] {strides = array<i32>} : memref<128x128xf32, #tpu.memory_space<vmem>>, vector<1x16xf32>,
        %get3A_855 = vector.shape_cast %get3A_854 : vector<1x16xf32> to vector<16xf32>
        %max3A_856 = arith.maximumf %scan3A_825, %get3A_855 : vector<16xf32>
        %add3A_857 = arith.constant 96 : i32
        %add3A_858 = arith.addi %add3A_857, %scan3A_821 : i32
        %get3A_859 = arith.index_cast %add3A_858 : i32 to index
        %get3A_860 = arith.constant 64 : index
        %get3A_861 = tpu.vector_load %arg6[%get3A_859, %get3A_860] {strides = array<i32>} : memref<128x128xf32, #tpu.memory_space<vmem>>, vector<1x16xf32>,
        %get3A_862 = vector.shape_cast %get3A_861 : vector<1x16xf32> to vector<16xf32>
        %max3A_863 = arith.maximumf %scan3A_826, %get3A_862 : vector<16xf32>
        %add3A_864 = arith.constant 96 : i32
        %add3A_865 = arith.addi %add3A_864, %scan3A_821 : i32
        %get3A_866 = arith.index_cast %add3A_865 : i32 to index
        %get3A_867 = arith.constant 80 : index
        %get3A_868 = tpu.vector_load %arg6[%get3A_866, %get3A_867] {strides = array<i32>} : memref<128x128xf32, #tpu.memory_space<vmem>>, vector<1x16xf32>,
        %get3A_869 = vector.shape_cast %get3A_868 : vector<1x16xf32> to vector<16xf32>
        %max3A_870 = arith.maximumf %scan3A_827, %get3A_869 : vector<16xf32>
        %add3A_871 = arith.constant 96 : i32
        %add3A_872 = arith.addi %add3A_871, %scan3A_821 : i32
        %get3A_873 = arith.index_cast %add3A_872 : i32 to index
        %get3A_874 = arith.constant 96 : index
        %get3A_875 = tpu.vector_load %arg6[%get3A_873, %get3A_874] {strides = array<i32>} : memref<128x128xf32, #tpu.memory_space<vmem>>, vector<1x16xf32>,
        %get3A_876 = vector.shape_cast %get3A_875 : vector<1x16xf32> to vector<16xf32>
        %max3A_877 = arith.maximumf %scan3A_828, %get3A_876 : vector<16xf32>
        %add3A_878 = arith.constant 96 : i32
        %add3A_879 = arith.addi %add3A_878, %scan3A_821 : i32
        %get3A_880 = arith.index_cast %add3A_879 : i32 to index
        %get3A_881 = arith.constant 112 : index
        %get3A_882 = tpu.vector_load %arg6[%get3A_880, %get3A_881] {strides = array<i32>} : memref<128x128xf32, #tpu.memory_space<vmem>>, vector<1x16xf32>,
        %get3A_883 = vector.shape_cast %get3A_882 : vector<1x16xf32> to vector<16xf32>
        %max3A_884 = arith.maximumf %scan3A_829, %get3A_883 : vector<16xf32>
        scf.yield %max3A, %max3A_842, %max3A_849, %max3A_856, %max3A_863, %max3A_870, %max3A_877, %max3A_884 : vector<16xf32>, vector<16xf32>, vector<16xf32>, vector<16xf32>, vector<16xf32>, vector<16xf32>, vector<16xf32>, vector<16xf32>
      }
      %scan3A_359 = arith.constant 31 : i32
      %swap3A_360 = arith.constant 3 : i32
      %swap3A_361 = arith.index_cast %swap3A_360 : i32 to index
      %swap3A_362 = arith.constant 0 : index
      %swap3A_363 = tpu.vector_load %arg8[%swap3A_361, %swap3A_362] {strides = array<i32>} : memref<4x128xf32, #tpu.memory_space<vmem>>, vector<1x16xf32>,
      %swap3A_364 = vector.shape_cast %swap3A_363 : vector<1x16xf32> to vector<16xf32>
      %swap3A_365 = vector.shape_cast %scan3A_358#0 : vector<16xf32> to vector<1x16xf32>
      tpu.vector_store %arg8[%swap3A_361, %swap3A_362], %swap3A_365 {strides = array<i32>} : memref<4x128xf32, #tpu.memory_space<vmem>>, vector<1x16xf32>,
      %swap3A_366 = arith.constant 3 : i32
      %swap3A_367 = arith.index_cast %swap3A_366 : i32 to index
      %swap3A_368 = arith.constant 16 : index
      %swap3A_369 = tpu.vector_load %arg8[%swap3A_367, %swap3A_368] {strides = array<i32>} : memref<4x128xf32, #tpu.memory_space<vmem>>, vector<1x16xf32>,
      %swap3A_370 = vector.shape_cast %swap3A_369 : vector<1x16xf32> to vector<16xf32>
      %swap3A_371 = vector.shape_cast %scan3A_358#1 : vector<16xf32> to vector<1x16xf32>
      tpu.vector_store %arg8[%swap3A_367, %swap3A_368], %swap3A_371 {strides = array<i32>} : memref<4x128xf32, #tpu.memory_space<vmem>>, vector<1x16xf32>,
      %swap3A_372 = arith.constant 3 : i32
      %swap3A_373 = arith.index_cast %swap3A_372 : i32 to index
      %swap3A_374 = arith.constant 32 : index
      %swap3A_375 = tpu.vector_load %arg8[%swap3A_373, %swap3A_374] {strides = array<i32>} : memref<4x128xf32, #tpu.memory_space<vmem>>, vector<1x16xf32>,
      %swap3A_376 = vector.shape_cast %swap3A_375 : vector<1x16xf32> to vector<16xf32>
      %swap3A_377 = vector.shape_cast %scan3A_358#2 : vector<16xf32> to vector<1x16xf32>
      tpu.vector_store %arg8[%swap3A_373, %swap3A_374], %swap3A_377 {strides = array<i32>} : memref<4x128xf32, #tpu.memory_space<vmem>>, vector<1x16xf32>,
      %swap3A_378 = arith.constant 3 : i32
      %swap3A_379 = arith.index_cast %swap3A_378 : i32 to index
      %swap3A_380 = arith.constant 48 : index
      %swap3A_381 = tpu.vector_load %arg8[%swap3A_379, %swap3A_380] {strides = array<i32>} : memref<4x128xf32, #tpu.memory_space<vmem>>, vector<1x16xf32>,
      %swap3A_382 = vector.shape_cast %swap3A_381 : vector<1x16xf32> to vector<16xf32>
      %swap3A_383 = vector.shape_cast %scan3A_358#3 : vector<16xf32> to vector<1x16xf32>
      tpu.vector_store %arg8[%swap3A_379, %swap3A_380], %swap3A_383 {strides = array<i32>} : memref<4x128xf32, #tpu.memory_space<vmem>>, vector<1x16xf32>,
      %swap3A_384 = arith.constant 3 : i32
      %swap3A_385 = arith.index_cast %swap3A_384 : i32 to index
      %swap3A_386 = arith.constant 64 : index
      %swap3A_387 = tpu.vector_load %arg8[%swap3A_385, %swap3A_386] {strides = array<i32>} : memref<4x128xf32, #tpu.memory_space<vmem>>, vector<1x16xf32>,
      %swap3A_388 = vector.shape_cast %swap3A_387 : vector<1x16xf32> to vector<16xf32>
      %swap3A_389 = vector.shape_cast %scan3A_358#4 : vector<16xf32> to vector<1x16xf32>
      tpu.vector_store %arg8[%swap3A_385, %swap3A_386], %swap3A_389 {strides = array<i32>} : memref<4x128xf32, #tpu.memory_space<vmem>>, vector<1x16xf32>,
      %swap3A_390 = arith.constant 3 : i32
      %swap3A_391 = arith.index_cast %swap3A_390 : i32 to index
      %swap3A_392 = arith.constant 80 : index
      %swap3A_393 = tpu.vector_load %arg8[%swap3A_391, %swap3A_392] {strides = array<i32>} : memref<4x128xf32, #tpu.memory_space<vmem>>, vector<1x16xf32>,
      %swap3A_394 = vector.shape_cast %swap3A_393 : vector<1x16xf32> to vector<16xf32>
      %swap3A_395 = vector.shape_cast %scan3A_358#5 : vector<16xf32> to vector<1x16xf32>
      tpu.vector_store %arg8[%swap3A_391, %swap3A_392], %swap3A_395 {strides = array<i32>} : memref<4x128xf32, #tpu.memory_space<vmem>>, vector<1x16xf32>,
      %swap3A_396 = arith.constant 3 : i32
      %swap3A_397 = arith.index_cast %swap3A_396 : i32 to index
      %swap3A_398 = arith.constant 96 : index
      %swap3A_399 = tpu.vector_load %arg8[%swap3A_397, %swap3A_398] {strides = array<i32>} : memref<4x128xf32, #tpu.memory_space<vmem>>, vector<1x16xf32>,
      %swap3A_400 = vector.shape_cast %swap3A_399 : vector<1x16xf32> to vector<16xf32>
      %swap3A_401 = vector.shape_cast %scan3A_358#6 : vector<16xf32> to vector<1x16xf32>
      tpu.vector_store %arg8[%swap3A_397, %swap3A_398], %swap3A_401 {strides = array<i32>} : memref<4x128xf32, #tpu.memory_space<vmem>>, vector<1x16xf32>,
      %swap3A_402 = arith.constant 3 : i32
      %swap3A_403 = arith.index_cast %swap3A_402 : i32 to index
      %swap3A_404 = arith.constant 112 : index
      %swap3A_405 = tpu.vector_load %arg8[%swap3A_403, %swap3A_404] {strides = array<i32>} : memref<4x128xf32, #tpu.memory_space<vmem>>, vector<1x16xf32>,
      %swap3A_406 = vector.shape_cast %swap3A_405 : vector<1x16xf32> to vector<16xf32>
      %swap3A_407 = vector.shape_cast %scan3A_358#7 : vector<16xf32> to vector<1x16xf32>
      tpu.vector_store %arg8[%swap3A_403, %swap3A_404], %swap3A_407 {strides = array<i32>} : memref<4x128xf32, #tpu.memory_space<vmem>>, vector<1x16xf32>,
      %mul3A_408 = arith.constant 256 : i32
      %mul3A_409 = arith.muli %add3A, %mul3A_408 : i32
      %mul3A_410 = arith.constant 4 : i32
      %mul3A_411 = arith.muli %mul3A_18, %mul3A_410 : i32
      %add3A_412 = arith.addi %mul3A_409, %mul3A_411 : i32
      %dma_start3A_413 = arith.constant 0 : i32
      %dma_start3A_414 = tpu.memref_slice %arg4[%add3A_412, %dma_start3A_413] : memref<8192x128xf32, #tpu.memory_space<hbm>> -> memref<4x128xf32, #tpu.memory_space<hbm>>
      %dma_start3A_415 = arith.constant 0 : i32
      %dma_start3A_416 = tpu.memref_slice %arg4[%add3A_412, %dma_start3A_415] : memref<8192x128xf32, #tpu.memory_space<hbm>> -> memref<4x128xf32, #tpu.memory_space<hbm>>
      tpu.enqueue_dma source(%arg8 : memref<4x128xf32, #tpu.memory_space<vmem>>) target(%dma_start3A_416 : memref<4x128xf32, #tpu.memory_space<hbm>>) target_semaphore(%arg11 : memref<!tpu.dma_semaphore, #tpu.memory_space<semaphore_mem>>)
      %dma_wait3A_417 = arith.constant 0 : i32
      %dma_wait3A_418 = tpu.memref_slice %arg4[%add3A_412, %dma_wait3A_417] : memref<8192x128xf32, #tpu.memory_space<hbm>> -> memref<4x128xf32, #tpu.memory_space<hbm>>
      %dma_wait3A_419 = arith.constant 0 : i32
      %dma_wait3A_420 = tpu.memref_slice %arg4[%add3A_412, %dma_wait3A_419] : memref<8192x128xf32, #tpu.memory_space<hbm>> -> memref<4x128xf32, #tpu.memory_space<hbm>>
      tpu.wait_dma2 semaphore(%arg11 : memref<!tpu.dma_semaphore, #tpu.memory_space<semaphore_mem>>) src(%arg8 : memref<4x128xf32, #tpu.memory_space<vmem>>) dst(%dma_wait3A_420 : memref<4x128xf32, #tpu.memory_space<hbm>>)
      %add3A_421 = arith.constant 1 : i32
      %add3A_422 = arith.addi %add3A_22, %add3A_421 : i32
      %lt3A = arith.constant 64 : i32
      %lt3A_423 = arith.cmpi slt, %add3A_422, %lt3A : i32
      %convert_element_type3A = arith.extui %lt3A_423 : i1 to i32
      %cond3A = arith.constant 0 : i32
      %cond3A_424 = arith.cmpi ne, %convert_element_type3A, %cond3A : i32
      scf.if %cond3A_424 {
        %add3A_821 = arith.constant 1 : i32
        %add3A_822 = arith.addi %add3A_22, %add3A_821 : i32
        %dma_start3A_823 = arith.constant 0 : i32
        %dma_start3A_824 = tpu.memref_slice %arg5[%add3A_822, %dma_start3A_823] : memref<64x128xi32, #tpu.memory_space<vmem>> -> memref<1x128xi32, #tpu.memory_space<vmem>>
        %dma_start3A_825 = tpu.memref_squeeze %dma_start3A_824 : memref<1x128xi32, #tpu.memory_space<vmem>> -> memref<128xi32, #tpu.memory_space<vmem>>
        %dma_start3A_826 = arith.constant 0 : i32
        %dma_start3A_827 = arith.constant 0 : i32
        %dma_start3A_828 = tpu.memref_slice %arg2[%dma_start3A_826, %dma_start3A_827] : memref<32768x128xf32, #tpu.memory_space<hbm>> -> memref<32768x128xf32, #tpu.memory_space<hbm>>
        tpu.enqueue_indirect_dma source(%dma_start3A_828 : memref<32768x128xf32, #tpu.memory_space<hbm>>) target(%arg6 : memref<128x128xf32, #tpu.memory_space<vmem>>) offsets(%dma_start3A_825 : memref<128xi32, #tpu.memory_space<vmem>>) semaphore(%arg9 : memref<!tpu.dma_semaphore, #tpu.memory_space<semaphore_mem>>)
      } else {
      }
      %dma_wait3A_425 = arith.constant 0 : i32
      %dma_wait3A_426 = tpu.memref_slice %arg5[%add3A_22, %dma_wait3A_425] : memref<64x128xi32, #tpu.memory_space<vmem>> -> memref<1x128xi32, #tpu.memory_space<vmem>>
      %dma_wait3A_427 = tpu.memref_squeeze %dma_wait3A_426 : memref<1x128xi32, #tpu.memory_space<vmem>> -> memref<128xi32, #tpu.memory_space<vmem>>
      %dma_wait3A_428 = arith.constant 0 : i32
      %dma_wait3A_429 = arith.constant 0 : i32
      %dma_wait3A_430 = tpu.memref_slice %arg2[%dma_wait3A_428, %dma_wait3A_429] : memref<32768x128xf32, #tpu.memory_space<hbm>> -> memref<32768x128xf32, #tpu.memory_space<hbm>>
      tpu.wait_indirect_dma semaphore(%arg10 : memref<!tpu.dma_semaphore, #tpu.memory_space<semaphore_mem>>) src(%dma_wait3A_430 : memref<32768x128xf32, #tpu.memory_space<hbm>>) dst(%arg7 : memref<128x128xf32, #tpu.memory_space<vmem>>)
      %get3A_431 = arith.constant 0 : i32
      %get3A_432 = arith.index_cast %get3A_431 : i32 to index
      %get3A_433 = arith.constant 0 : index
      %get3A_434 = tpu.vector_load %arg7[%get3A_432, %get3A_433] {strides = array<i32>} : memref<128x128xf32, #tpu.memory_space<vmem>>, vector<1x16xf32>,
      %get3A_435 = vector.shape_cast %get3A_434 : vector<1x16xf32> to vector<16xf32>
      %get3A_436 = arith.constant 0 : i32
      %get3A_437 = arith.index_cast %get3A_436 : i32 to index
      %get3A_438 = arith.constant 16 : index
      %get3A_439 = tpu.vector_load %arg7[%get3A_437, %get3A_438] {strides = array<i32>} : memref<128x128xf32, #tpu.memory_space<vmem>>, vector<1x16xf32>,
      %get3A_440 = vector.shape_cast %get3A_439 : vector<1x16xf32> to vector<16xf32>
      %get3A_441 = arith.constant 0 : i32
      %get3A_442 = arith.index_cast %get3A_441 : i32 to index
      %get3A_443 = arith.constant 32 : index
      %get3A_444 = tpu.vector_load %arg7[%get3A_442, %get3A_443] {strides = array<i32>} : memref<128x128xf32, #tpu.memory_space<vmem>>, vector<1x16xf32>,
      %get3A_445 = vector.shape_cast %get3A_444 : vector<1x16xf32> to vector<16xf32>
      %get3A_446 = arith.constant 0 : i32
      %get3A_447 = arith.index_cast %get3A_446 : i32 to index
      %get3A_448 = arith.constant 48 : index
      %get3A_449 = tpu.vector_load %arg7[%get3A_447, %get3A_448] {strides = array<i32>} : memref<128x128xf32, #tpu.memory_space<vmem>>, vector<1x16xf32>,
      %get3A_450 = vector.shape_cast %get3A_449 : vector<1x16xf32> to vector<16xf32>
      %get3A_451 = arith.constant 0 : i32
      %get3A_452 = arith.index_cast %get3A_451 : i32 to index
      %get3A_453 = arith.constant 64 : index
      %get3A_454 = tpu.vector_load %arg7[%get3A_452, %get3A_453] {strides = array<i32>} : memref<128x128xf32, #tpu.memory_space<vmem>>, vector<1x16xf32>,
      %get3A_455 = vector.shape_cast %get3A_454 : vector<1x16xf32> to vector<16xf32>
      %get3A_456 = arith.constant 0 : i32
      %get3A_457 = arith.index_cast %get3A_456 : i32 to index
      %get3A_458 = arith.constant 80 : index
      %get3A_459 = tpu.vector_load %arg7[%get3A_457, %get3A_458] {strides = array<i32>} : memref<128x128xf32, #tpu.memory_space<vmem>>, vector<1x16xf32>,
      %get3A_460 = vector.shape_cast %get3A_459 : vector<1x16xf32> to vector<16xf32>
      %get3A_461 = arith.constant 0 : i32
      %get3A_462 = arith.index_cast %get3A_461 : i32 to index
      %get3A_463 = arith.constant 96 : index
      %get3A_464 = tpu.vector_load %arg7[%get3A_462, %get3A_463] {strides = array<i32>} : memref<128x128xf32, #tpu.memory_space<vmem>>, vector<1x16xf32>,
      %get3A_465 = vector.shape_cast %get3A_464 : vector<1x16xf32> to vector<16xf32>
      %get3A_466 = arith.constant 0 : i32
      %get3A_467 = arith.index_cast %get3A_466 : i32 to index
      %get3A_468 = arith.constant 112 : index
      %get3A_469 = tpu.vector_load %arg7[%get3A_467, %get3A_468] {strides = array<i32>} : memref<128x128xf32, #tpu.memory_space<vmem>>, vector<1x16xf32>,
      %get3A_470 = vector.shape_cast %get3A_469 : vector<1x16xf32> to vector<16xf32>
      %scan3A_471 = arith.constant 1 : i32
      %scan3A_472 = arith.constant 31 : i32
      %scan3A_473 = arith.addi %scan3A_471, %scan3A_472 : i32
      %scan3A_474 = arith.constant 1 : i32
      %scan3A_475:8 = scf.for %scan3A_821 = %scan3A_471 to %scan3A_473 step %scan3A_474 iter_args(%scan3A_822 = %get3A_435, %scan3A_823 = %get3A_440, %scan3A_824 = %get3A_445, %scan3A_825 = %get3A_450, %scan3A_826 = %get3A_455, %scan3A_827 = %get3A_460, %scan3A_828 = %get3A_465, %scan3A_829 = %get3A_470) -> (vector<16xf32>, vector<16xf32>, vector<16xf32>, vector<16xf32>, vector<16xf32>, vector<16xf32>, vector<16xf32>, vector<16xf32>)  : i32 {
        %add3A_830 = arith.constant 0 : i32
        %add3A_831 = arith.addi %add3A_830, %scan3A_821 : i32
        %get3A_832 = arith.index_cast %add3A_831 : i32 to index
        %get3A_833 = arith.constant 0 : index
        %get3A_834 = tpu.vector_load %arg7[%get3A_832, %get3A_833] {strides = array<i32>} : memref<128x128xf32, #tpu.memory_space<vmem>>, vector<1x16xf32>,
        %get3A_835 = vector.shape_cast %get3A_834 : vector<1x16xf32> to vector<16xf32>
        %max3A = arith.maximumf %scan3A_822, %get3A_835 : vector<16xf32>
        %add3A_836 = arith.constant 0 : i32
        %add3A_837 = arith.addi %add3A_836, %scan3A_821 : i32
        %get3A_838 = arith.index_cast %add3A_837 : i32 to index
        %get3A_839 = arith.constant 16 : index
        %get3A_840 = tpu.vector_load %arg7[%get3A_838, %get3A_839] {strides = array<i32>} : memref<128x128xf32, #tpu.memory_space<vmem>>, vector<1x16xf32>,
        %get3A_841 = vector.shape_cast %get3A_840 : vector<1x16xf32> to vector<16xf32>
        %max3A_842 = arith.maximumf %scan3A_823, %get3A_841 : vector<16xf32>
        %add3A_843 = arith.constant 0 : i32
        %add3A_844 = arith.addi %add3A_843, %scan3A_821 : i32
        %get3A_845 = arith.index_cast %add3A_844 : i32 to index
        %get3A_846 = arith.constant 32 : index
        %get3A_847 = tpu.vector_load %arg7[%get3A_845, %get3A_846] {strides = array<i32>} : memref<128x128xf32, #tpu.memory_space<vmem>>, vector<1x16xf32>,
        %get3A_848 = vector.shape_cast %get3A_847 : vector<1x16xf32> to vector<16xf32>
        %max3A_849 = arith.maximumf %scan3A_824, %get3A_848 : vector<16xf32>
        %add3A_850 = arith.constant 0 : i32
        %add3A_851 = arith.addi %add3A_850, %scan3A_821 : i32
        %get3A_852 = arith.index_cast %add3A_851 : i32 to index
        %get3A_853 = arith.constant 48 : index
        %get3A_854 = tpu.vector_load %arg7[%get3A_852, %get3A_853] {strides = array<i32>} : memref<128x128xf32, #tpu.memory_space<vmem>>, vector<1x16xf32>,
        %get3A_855 = vector.shape_cast %get3A_854 : vector<1x16xf32> to vector<16xf32>
        %max3A_856 = arith.maximumf %scan3A_825, %get3A_855 : vector<16xf32>
        %add3A_857 = arith.constant 0 : i32
        %add3A_858 = arith.addi %add3A_857, %scan3A_821 : i32
        %get3A_859 = arith.index_cast %add3A_858 : i32 to index
        %get3A_860 = arith.constant 64 : index
        %get3A_861 = tpu.vector_load %arg7[%get3A_859, %get3A_860] {strides = array<i32>} : memref<128x128xf32, #tpu.memory_space<vmem>>, vector<1x16xf32>,
        %get3A_862 = vector.shape_cast %get3A_861 : vector<1x16xf32> to vector<16xf32>
        %max3A_863 = arith.maximumf %scan3A_826, %get3A_862 : vector<16xf32>
        %add3A_864 = arith.constant 0 : i32
        %add3A_865 = arith.addi %add3A_864, %scan3A_821 : i32
        %get3A_866 = arith.index_cast %add3A_865 : i32 to index
        %get3A_867 = arith.constant 80 : index
        %get3A_868 = tpu.vector_load %arg7[%get3A_866, %get3A_867] {strides = array<i32>} : memref<128x128xf32, #tpu.memory_space<vmem>>, vector<1x16xf32>,
        %get3A_869 = vector.shape_cast %get3A_868 : vector<1x16xf32> to vector<16xf32>
        %max3A_870 = arith.maximumf %scan3A_827, %get3A_869 : vector<16xf32>
        %add3A_871 = arith.constant 0 : i32
        %add3A_872 = arith.addi %add3A_871, %scan3A_821 : i32
        %get3A_873 = arith.index_cast %add3A_872 : i32 to index
        %get3A_874 = arith.constant 96 : index
        %get3A_875 = tpu.vector_load %arg7[%get3A_873, %get3A_874] {strides = array<i32>} : memref<128x128xf32, #tpu.memory_space<vmem>>, vector<1x16xf32>,
        %get3A_876 = vector.shape_cast %get3A_875 : vector<1x16xf32> to vector<16xf32>
        %max3A_877 = arith.maximumf %scan3A_828, %get3A_876 : vector<16xf32>
        %add3A_878 = arith.constant 0 : i32
        %add3A_879 = arith.addi %add3A_878, %scan3A_821 : i32
        %get3A_880 = arith.index_cast %add3A_879 : i32 to index
        %get3A_881 = arith.constant 112 : index
        %get3A_882 = tpu.vector_load %arg7[%get3A_880, %get3A_881] {strides = array<i32>} : memref<128x128xf32, #tpu.memory_space<vmem>>, vector<1x16xf32>,
        %get3A_883 = vector.shape_cast %get3A_882 : vector<1x16xf32> to vector<16xf32>
        %max3A_884 = arith.maximumf %scan3A_829, %get3A_883 : vector<16xf32>
        scf.yield %max3A, %max3A_842, %max3A_849, %max3A_856, %max3A_863, %max3A_870, %max3A_877, %max3A_884 : vector<16xf32>, vector<16xf32>, vector<16xf32>, vector<16xf32>, vector<16xf32>, vector<16xf32>, vector<16xf32>, vector<16xf32>
      }
      %scan3A_476 = arith.constant 31 : i32
      %swap3A_477 = arith.constant 0 : i32
      %swap3A_478 = arith.index_cast %swap3A_477 : i32 to index
      %swap3A_479 = arith.constant 0 : index
      %swap3A_480 = tpu.vector_load %arg8[%swap3A_478, %swap3A_479] {strides = array<i32>} : memref<4x128xf32, #tpu.memory_space<vmem>>, vector<1x16xf32>,
      %swap3A_481 = vector.shape_cast %swap3A_480 : vector<1x16xf32> to vector<16xf32>
      %swap3A_482 = vector.shape_cast %scan3A_475#0 : vector<16xf32> to vector<1x16xf32>
      tpu.vector_store %arg8[%swap3A_478, %swap3A_479], %swap3A_482 {strides = array<i32>} : memref<4x128xf32, #tpu.memory_space<vmem>>, vector<1x16xf32>,
      %swap3A_483 = arith.constant 0 : i32
      %swap3A_484 = arith.index_cast %swap3A_483 : i32 to index
      %swap3A_485 = arith.constant 16 : index
      %swap3A_486 = tpu.vector_load %arg8[%swap3A_484, %swap3A_485] {strides = array<i32>} : memref<4x128xf32, #tpu.memory_space<vmem>>, vector<1x16xf32>,
      %swap3A_487 = vector.shape_cast %swap3A_486 : vector<1x16xf32> to vector<16xf32>
      %swap3A_488 = vector.shape_cast %scan3A_475#1 : vector<16xf32> to vector<1x16xf32>
      tpu.vector_store %arg8[%swap3A_484, %swap3A_485], %swap3A_488 {strides = array<i32>} : memref<4x128xf32, #tpu.memory_space<vmem>>, vector<1x16xf32>,
      %swap3A_489 = arith.constant 0 : i32
      %swap3A_490 = arith.index_cast %swap3A_489 : i32 to index
      %swap3A_491 = arith.constant 32 : index
      %swap3A_492 = tpu.vector_load %arg8[%swap3A_490, %swap3A_491] {strides = array<i32>} : memref<4x128xf32, #tpu.memory_space<vmem>>, vector<1x16xf32>,
      %swap3A_493 = vector.shape_cast %swap3A_492 : vector<1x16xf32> to vector<16xf32>
      %swap3A_494 = vector.shape_cast %scan3A_475#2 : vector<16xf32> to vector<1x16xf32>
      tpu.vector_store %arg8[%swap3A_490, %swap3A_491], %swap3A_494 {strides = array<i32>} : memref<4x128xf32, #tpu.memory_space<vmem>>, vector<1x16xf32>,
      %swap3A_495 = arith.constant 0 : i32
      %swap3A_496 = arith.index_cast %swap3A_495 : i32 to index
      %swap3A_497 = arith.constant 48 : index
      %swap3A_498 = tpu.vector_load %arg8[%swap3A_496, %swap3A_497] {strides = array<i32>} : memref<4x128xf32, #tpu.memory_space<vmem>>, vector<1x16xf32>,
      %swap3A_499 = vector.shape_cast %swap3A_498 : vector<1x16xf32> to vector<16xf32>
      %swap3A_500 = vector.shape_cast %scan3A_475#3 : vector<16xf32> to vector<1x16xf32>
      tpu.vector_store %arg8[%swap3A_496, %swap3A_497], %swap3A_500 {strides = array<i32>} : memref<4x128xf32, #tpu.memory_space<vmem>>, vector<1x16xf32>,
      %swap3A_501 = arith.constant 0 : i32
      %swap3A_502 = arith.index_cast %swap3A_501 : i32 to index
      %swap3A_503 = arith.constant 64 : index
      %swap3A_504 = tpu.vector_load %arg8[%swap3A_502, %swap3A_503] {strides = array<i32>} : memref<4x128xf32, #tpu.memory_space<vmem>>, vector<1x16xf32>,
      %swap3A_505 = vector.shape_cast %swap3A_504 : vector<1x16xf32> to vector<16xf32>
      %swap3A_506 = vector.shape_cast %scan3A_475#4 : vector<16xf32> to vector<1x16xf32>
      tpu.vector_store %arg8[%swap3A_502, %swap3A_503], %swap3A_506 {strides = array<i32>} : memref<4x128xf32, #tpu.memory_space<vmem>>, vector<1x16xf32>,
      %swap3A_507 = arith.constant 0 : i32
      %swap3A_508 = arith.index_cast %swap3A_507 : i32 to index
      %swap3A_509 = arith.constant 80 : index
      %swap3A_510 = tpu.vector_load %arg8[%swap3A_508, %swap3A_509] {strides = array<i32>} : memref<4x128xf32, #tpu.memory_space<vmem>>, vector<1x16xf32>,
      %swap3A_511 = vector.shape_cast %swap3A_510 : vector<1x16xf32> to vector<16xf32>
      %swap3A_512 = vector.shape_cast %scan3A_475#5 : vector<16xf32> to vector<1x16xf32>
      tpu.vector_store %arg8[%swap3A_508, %swap3A_509], %swap3A_512 {strides = array<i32>} : memref<4x128xf32, #tpu.memory_space<vmem>>, vector<1x16xf32>,
      %swap3A_513 = arith.constant 0 : i32
      %swap3A_514 = arith.index_cast %swap3A_513 : i32 to index
      %swap3A_515 = arith.constant 96 : index
      %swap3A_516 = tpu.vector_load %arg8[%swap3A_514, %swap3A_515] {strides = array<i32>} : memref<4x128xf32, #tpu.memory_space<vmem>>, vector<1x16xf32>,
      %swap3A_517 = vector.shape_cast %swap3A_516 : vector<1x16xf32> to vector<16xf32>
      %swap3A_518 = vector.shape_cast %scan3A_475#6 : vector<16xf32> to vector<1x16xf32>
      tpu.vector_store %arg8[%swap3A_514, %swap3A_515], %swap3A_518 {strides = array<i32>} : memref<4x128xf32, #tpu.memory_space<vmem>>, vector<1x16xf32>,
      %swap3A_519 = arith.constant 0 : i32
      %swap3A_520 = arith.index_cast %swap3A_519 : i32 to index
      %swap3A_521 = arith.constant 112 : index
      %swap3A_522 = tpu.vector_load %arg8[%swap3A_520, %swap3A_521] {strides = array<i32>} : memref<4x128xf32, #tpu.memory_space<vmem>>, vector<1x16xf32>,
      %swap3A_523 = vector.shape_cast %swap3A_522 : vector<1x16xf32> to vector<16xf32>
      %swap3A_524 = vector.shape_cast %scan3A_475#7 : vector<16xf32> to vector<1x16xf32>
      tpu.vector_store %arg8[%swap3A_520, %swap3A_521], %swap3A_524 {strides = array<i32>} : memref<4x128xf32, #tpu.memory_space<vmem>>, vector<1x16xf32>,
      %get3A_525 = arith.constant 32 : i32
      %get3A_526 = arith.index_cast %get3A_525 : i32 to index
      %get3A_527 = arith.constant 0 : index
      %get3A_528 = tpu.vector_load %arg7[%get3A_526, %get3A_527] {strides = array<i32>} : memref<128x128xf32, #tpu.memory_space<vmem>>, vector<1x16xf32>,
      %get3A_529 = vector.shape_cast %get3A_528 : vector<1x16xf32> to vector<16xf32>
      %get3A_530 = arith.constant 32 : i32
      %get3A_531 = arith.index_cast %get3A_530 : i32 to index
      %get3A_532 = arith.constant 16 : index
      %get3A_533 = tpu.vector_load %arg7[%get3A_531, %get3A_532] {strides = array<i32>} : memref<128x128xf32, #tpu.memory_space<vmem>>, vector<1x16xf32>,
      %get3A_534 = vector.shape_cast %get3A_533 : vector<1x16xf32> to vector<16xf32>
      %get3A_535 = arith.constant 32 : i32
      %get3A_536 = arith.index_cast %get3A_535 : i32 to index
      %get3A_537 = arith.constant 32 : index
      %get3A_538 = tpu.vector_load %arg7[%get3A_536, %get3A_537] {strides = array<i32>} : memref<128x128xf32, #tpu.memory_space<vmem>>, vector<1x16xf32>,
      %get3A_539 = vector.shape_cast %get3A_538 : vector<1x16xf32> to vector<16xf32>
      %get3A_540 = arith.constant 32 : i32
      %get3A_541 = arith.index_cast %get3A_540 : i32 to index
      %get3A_542 = arith.constant 48 : index
      %get3A_543 = tpu.vector_load %arg7[%get3A_541, %get3A_542] {strides = array<i32>} : memref<128x128xf32, #tpu.memory_space<vmem>>, vector<1x16xf32>,
      %get3A_544 = vector.shape_cast %get3A_543 : vector<1x16xf32> to vector<16xf32>
      %get3A_545 = arith.constant 32 : i32
      %get3A_546 = arith.index_cast %get3A_545 : i32 to index
      %get3A_547 = arith.constant 64 : index
      %get3A_548 = tpu.vector_load %arg7[%get3A_546, %get3A_547] {strides = array<i32>} : memref<128x128xf32, #tpu.memory_space<vmem>>, vector<1x16xf32>,
      %get3A_549 = vector.shape_cast %get3A_548 : vector<1x16xf32> to vector<16xf32>
      %get3A_550 = arith.constant 32 : i32
      %get3A_551 = arith.index_cast %get3A_550 : i32 to index
      %get3A_552 = arith.constant 80 : index
      %get3A_553 = tpu.vector_load %arg7[%get3A_551, %get3A_552] {strides = array<i32>} : memref<128x128xf32, #tpu.memory_space<vmem>>, vector<1x16xf32>,
      %get3A_554 = vector.shape_cast %get3A_553 : vector<1x16xf32> to vector<16xf32>
      %get3A_555 = arith.constant 32 : i32
      %get3A_556 = arith.index_cast %get3A_555 : i32 to index
      %get3A_557 = arith.constant 96 : index
      %get3A_558 = tpu.vector_load %arg7[%get3A_556, %get3A_557] {strides = array<i32>} : memref<128x128xf32, #tpu.memory_space<vmem>>, vector<1x16xf32>,
      %get3A_559 = vector.shape_cast %get3A_558 : vector<1x16xf32> to vector<16xf32>
      %get3A_560 = arith.constant 32 : i32
      %get3A_561 = arith.index_cast %get3A_560 : i32 to index
      %get3A_562 = arith.constant 112 : index
      %get3A_563 = tpu.vector_load %arg7[%get3A_561, %get3A_562] {strides = array<i32>} : memref<128x128xf32, #tpu.memory_space<vmem>>, vector<1x16xf32>,
      %get3A_564 = vector.shape_cast %get3A_563 : vector<1x16xf32> to vector<16xf32>
      %scan3A_565 = arith.constant 1 : i32
      %scan3A_566 = arith.constant 31 : i32
      %scan3A_567 = arith.addi %scan3A_565, %scan3A_566 : i32
      %scan3A_568 = arith.constant 1 : i32
      %scan3A_569:8 = scf.for %scan3A_821 = %scan3A_565 to %scan3A_567 step %scan3A_568 iter_args(%scan3A_822 = %get3A_529, %scan3A_823 = %get3A_534, %scan3A_824 = %get3A_539, %scan3A_825 = %get3A_544, %scan3A_826 = %get3A_549, %scan3A_827 = %get3A_554, %scan3A_828 = %get3A_559, %scan3A_829 = %get3A_564) -> (vector<16xf32>, vector<16xf32>, vector<16xf32>, vector<16xf32>, vector<16xf32>, vector<16xf32>, vector<16xf32>, vector<16xf32>)  : i32 {
        %add3A_830 = arith.constant 32 : i32
        %add3A_831 = arith.addi %add3A_830, %scan3A_821 : i32
        %get3A_832 = arith.index_cast %add3A_831 : i32 to index
        %get3A_833 = arith.constant 0 : index
        %get3A_834 = tpu.vector_load %arg7[%get3A_832, %get3A_833] {strides = array<i32>} : memref<128x128xf32, #tpu.memory_space<vmem>>, vector<1x16xf32>,
        %get3A_835 = vector.shape_cast %get3A_834 : vector<1x16xf32> to vector<16xf32>
        %max3A = arith.maximumf %scan3A_822, %get3A_835 : vector<16xf32>
        %add3A_836 = arith.constant 32 : i32
        %add3A_837 = arith.addi %add3A_836, %scan3A_821 : i32
        %get3A_838 = arith.index_cast %add3A_837 : i32 to index
        %get3A_839 = arith.constant 16 : index
        %get3A_840 = tpu.vector_load %arg7[%get3A_838, %get3A_839] {strides = array<i32>} : memref<128x128xf32, #tpu.memory_space<vmem>>, vector<1x16xf32>,
        %get3A_841 = vector.shape_cast %get3A_840 : vector<1x16xf32> to vector<16xf32>
        %max3A_842 = arith.maximumf %scan3A_823, %get3A_841 : vector<16xf32>
        %add3A_843 = arith.constant 32 : i32
        %add3A_844 = arith.addi %add3A_843, %scan3A_821 : i32
        %get3A_845 = arith.index_cast %add3A_844 : i32 to index
        %get3A_846 = arith.constant 32 : index
        %get3A_847 = tpu.vector_load %arg7[%get3A_845, %get3A_846] {strides = array<i32>} : memref<128x128xf32, #tpu.memory_space<vmem>>, vector<1x16xf32>,
        %get3A_848 = vector.shape_cast %get3A_847 : vector<1x16xf32> to vector<16xf32>
        %max3A_849 = arith.maximumf %scan3A_824, %get3A_848 : vector<16xf32>
        %add3A_850 = arith.constant 32 : i32
        %add3A_851 = arith.addi %add3A_850, %scan3A_821 : i32
        %get3A_852 = arith.index_cast %add3A_851 : i32 to index
        %get3A_853 = arith.constant 48 : index
        %get3A_854 = tpu.vector_load %arg7[%get3A_852, %get3A_853] {strides = array<i32>} : memref<128x128xf32, #tpu.memory_space<vmem>>, vector<1x16xf32>,
        %get3A_855 = vector.shape_cast %get3A_854 : vector<1x16xf32> to vector<16xf32>
        %max3A_856 = arith.maximumf %scan3A_825, %get3A_855 : vector<16xf32>
        %add3A_857 = arith.constant 32 : i32
        %add3A_858 = arith.addi %add3A_857, %scan3A_821 : i32
        %get3A_859 = arith.index_cast %add3A_858 : i32 to index
        %get3A_860 = arith.constant 64 : index
        %get3A_861 = tpu.vector_load %arg7[%get3A_859, %get3A_860] {strides = array<i32>} : memref<128x128xf32, #tpu.memory_space<vmem>>, vector<1x16xf32>,
        %get3A_862 = vector.shape_cast %get3A_861 : vector<1x16xf32> to vector<16xf32>
        %max3A_863 = arith.maximumf %scan3A_826, %get3A_862 : vector<16xf32>
        %add3A_864 = arith.constant 32 : i32
        %add3A_865 = arith.addi %add3A_864, %scan3A_821 : i32
        %get3A_866 = arith.index_cast %add3A_865 : i32 to index
        %get3A_867 = arith.constant 80 : index
        %get3A_868 = tpu.vector_load %arg7[%get3A_866, %get3A_867] {strides = array<i32>} : memref<128x128xf32, #tpu.memory_space<vmem>>, vector<1x16xf32>,
        %get3A_869 = vector.shape_cast %get3A_868 : vector<1x16xf32> to vector<16xf32>
        %max3A_870 = arith.maximumf %scan3A_827, %get3A_869 : vector<16xf32>
        %add3A_871 = arith.constant 32 : i32
        %add3A_872 = arith.addi %add3A_871, %scan3A_821 : i32
        %get3A_873 = arith.index_cast %add3A_872 : i32 to index
        %get3A_874 = arith.constant 96 : index
        %get3A_875 = tpu.vector_load %arg7[%get3A_873, %get3A_874] {strides = array<i32>} : memref<128x128xf32, #tpu.memory_space<vmem>>, vector<1x16xf32>,
        %get3A_876 = vector.shape_cast %get3A_875 : vector<1x16xf32> to vector<16xf32>
        %max3A_877 = arith.maximumf %scan3A_828, %get3A_876 : vector<16xf32>
        %add3A_878 = arith.constant 32 : i32
        %add3A_879 = arith.addi %add3A_878, %scan3A_821 : i32
        %get3A_880 = arith.index_cast %add3A_879 : i32 to index
        %get3A_881 = arith.constant 112 : index
        %get3A_882 = tpu.vector_load %arg7[%get3A_880, %get3A_881] {strides = array<i32>} : memref<128x128xf32, #tpu.memory_space<vmem>>, vector<1x16xf32>,
        %get3A_883 = vector.shape_cast %get3A_882 : vector<1x16xf32> to vector<16xf32>
        %max3A_884 = arith.maximumf %scan3A_829, %get3A_883 : vector<16xf32>
        scf.yield %max3A, %max3A_842, %max3A_849, %max3A_856, %max3A_863, %max3A_870, %max3A_877, %max3A_884 : vector<16xf32>, vector<16xf32>, vector<16xf32>, vector<16xf32>, vector<16xf32>, vector<16xf32>, vector<16xf32>, vector<16xf32>
      }
      %scan3A_570 = arith.constant 31 : i32
      %swap3A_571 = arith.constant 1 : i32
      %swap3A_572 = arith.index_cast %swap3A_571 : i32 to index
      %swap3A_573 = arith.constant 0 : index
      %swap3A_574 = tpu.vector_load %arg8[%swap3A_572, %swap3A_573] {strides = array<i32>} : memref<4x128xf32, #tpu.memory_space<vmem>>, vector<1x16xf32>,
      %swap3A_575 = vector.shape_cast %swap3A_574 : vector<1x16xf32> to vector<16xf32>
      %swap3A_576 = vector.shape_cast %scan3A_569#0 : vector<16xf32> to vector<1x16xf32>
      tpu.vector_store %arg8[%swap3A_572, %swap3A_573], %swap3A_576 {strides = array<i32>} : memref<4x128xf32, #tpu.memory_space<vmem>>, vector<1x16xf32>,
      %swap3A_577 = arith.constant 1 : i32
      %swap3A_578 = arith.index_cast %swap3A_577 : i32 to index
      %swap3A_579 = arith.constant 16 : index
      %swap3A_580 = tpu.vector_load %arg8[%swap3A_578, %swap3A_579] {strides = array<i32>} : memref<4x128xf32, #tpu.memory_space<vmem>>, vector<1x16xf32>,
      %swap3A_581 = vector.shape_cast %swap3A_580 : vector<1x16xf32> to vector<16xf32>
      %swap3A_582 = vector.shape_cast %scan3A_569#1 : vector<16xf32> to vector<1x16xf32>
      tpu.vector_store %arg8[%swap3A_578, %swap3A_579], %swap3A_582 {strides = array<i32>} : memref<4x128xf32, #tpu.memory_space<vmem>>, vector<1x16xf32>,
      %swap3A_583 = arith.constant 1 : i32
      %swap3A_584 = arith.index_cast %swap3A_583 : i32 to index
      %swap3A_585 = arith.constant 32 : index
      %swap3A_586 = tpu.vector_load %arg8[%swap3A_584, %swap3A_585] {strides = array<i32>} : memref<4x128xf32, #tpu.memory_space<vmem>>, vector<1x16xf32>,
      %swap3A_587 = vector.shape_cast %swap3A_586 : vector<1x16xf32> to vector<16xf32>
      %swap3A_588 = vector.shape_cast %scan3A_569#2 : vector<16xf32> to vector<1x16xf32>
      tpu.vector_store %arg8[%swap3A_584, %swap3A_585], %swap3A_588 {strides = array<i32>} : memref<4x128xf32, #tpu.memory_space<vmem>>, vector<1x16xf32>,
      %swap3A_589 = arith.constant 1 : i32
      %swap3A_590 = arith.index_cast %swap3A_589 : i32 to index
      %swap3A_591 = arith.constant 48 : index
      %swap3A_592 = tpu.vector_load %arg8[%swap3A_590, %swap3A_591] {strides = array<i32>} : memref<4x128xf32, #tpu.memory_space<vmem>>, vector<1x16xf32>,
      %swap3A_593 = vector.shape_cast %swap3A_592 : vector<1x16xf32> to vector<16xf32>
      %swap3A_594 = vector.shape_cast %scan3A_569#3 : vector<16xf32> to vector<1x16xf32>
      tpu.vector_store %arg8[%swap3A_590, %swap3A_591], %swap3A_594 {strides = array<i32>} : memref<4x128xf32, #tpu.memory_space<vmem>>, vector<1x16xf32>,
      %swap3A_595 = arith.constant 1 : i32
      %swap3A_596 = arith.index_cast %swap3A_595 : i32 to index
      %swap3A_597 = arith.constant 64 : index
      %swap3A_598 = tpu.vector_load %arg8[%swap3A_596, %swap3A_597] {strides = array<i32>} : memref<4x128xf32, #tpu.memory_space<vmem>>, vector<1x16xf32>,
      %swap3A_599 = vector.shape_cast %swap3A_598 : vector<1x16xf32> to vector<16xf32>
      %swap3A_600 = vector.shape_cast %scan3A_569#4 : vector<16xf32> to vector<1x16xf32>
      tpu.vector_store %arg8[%swap3A_596, %swap3A_597], %swap3A_600 {strides = array<i32>} : memref<4x128xf32, #tpu.memory_space<vmem>>, vector<1x16xf32>,
      %swap3A_601 = arith.constant 1 : i32
      %swap3A_602 = arith.index_cast %swap3A_601 : i32 to index
      %swap3A_603 = arith.constant 80 : index
      %swap3A_604 = tpu.vector_load %arg8[%swap3A_602, %swap3A_603] {strides = array<i32>} : memref<4x128xf32, #tpu.memory_space<vmem>>, vector<1x16xf32>,
      %swap3A_605 = vector.shape_cast %swap3A_604 : vector<1x16xf32> to vector<16xf32>
      %swap3A_606 = vector.shape_cast %scan3A_569#5 : vector<16xf32> to vector<1x16xf32>
      tpu.vector_store %arg8[%swap3A_602, %swap3A_603], %swap3A_606 {strides = array<i32>} : memref<4x128xf32, #tpu.memory_space<vmem>>, vector<1x16xf32>,
      %swap3A_607 = arith.constant 1 : i32
      %swap3A_608 = arith.index_cast %swap3A_607 : i32 to index
      %swap3A_609 = arith.constant 96 : index
      %swap3A_610 = tpu.vector_load %arg8[%swap3A_608, %swap3A_609] {strides = array<i32>} : memref<4x128xf32, #tpu.memory_space<vmem>>, vector<1x16xf32>,
      %swap3A_611 = vector.shape_cast %swap3A_610 : vector<1x16xf32> to vector<16xf32>
      %swap3A_612 = vector.shape_cast %scan3A_569#6 : vector<16xf32> to vector<1x16xf32>
      tpu.vector_store %arg8[%swap3A_608, %swap3A_609], %swap3A_612 {strides = array<i32>} : memref<4x128xf32, #tpu.memory_space<vmem>>, vector<1x16xf32>,
      %swap3A_613 = arith.constant 1 : i32
      %swap3A_614 = arith.index_cast %swap3A_613 : i32 to index
      %swap3A_615 = arith.constant 112 : index
      %swap3A_616 = tpu.vector_load %arg8[%swap3A_614, %swap3A_615] {strides = array<i32>} : memref<4x128xf32, #tpu.memory_space<vmem>>, vector<1x16xf32>,
      %swap3A_617 = vector.shape_cast %swap3A_616 : vector<1x16xf32> to vector<16xf32>
      %swap3A_618 = vector.shape_cast %scan3A_569#7 : vector<16xf32> to vector<1x16xf32>
      tpu.vector_store %arg8[%swap3A_614, %swap3A_615], %swap3A_618 {strides = array<i32>} : memref<4x128xf32, #tpu.memory_space<vmem>>, vector<1x16xf32>,
      %get3A_619 = arith.constant 64 : i32
      %get3A_620 = arith.index_cast %get3A_619 : i32 to index
      %get3A_621 = arith.constant 0 : index
      %get3A_622 = tpu.vector_load %arg7[%get3A_620, %get3A_621] {strides = array<i32>} : memref<128x128xf32, #tpu.memory_space<vmem>>, vector<1x16xf32>,
      %get3A_623 = vector.shape_cast %get3A_622 : vector<1x16xf32> to vector<16xf32>
      %get3A_624 = arith.constant 64 : i32
      %get3A_625 = arith.index_cast %get3A_624 : i32 to index
      %get3A_626 = arith.constant 16 : index
      %get3A_627 = tpu.vector_load %arg7[%get3A_625, %get3A_626] {strides = array<i32>} : memref<128x128xf32, #tpu.memory_space<vmem>>, vector<1x16xf32>,
      %get3A_628 = vector.shape_cast %get3A_627 : vector<1x16xf32> to vector<16xf32>
      %get3A_629 = arith.constant 64 : i32
      %get3A_630 = arith.index_cast %get3A_629 : i32 to index
      %get3A_631 = arith.constant 32 : index
      %get3A_632 = tpu.vector_load %arg7[%get3A_630, %get3A_631] {strides = array<i32>} : memref<128x128xf32, #tpu.memory_space<vmem>>, vector<1x16xf32>,
      %get3A_633 = vector.shape_cast %get3A_632 : vector<1x16xf32> to vector<16xf32>
      %get3A_634 = arith.constant 64 : i32
      %get3A_635 = arith.index_cast %get3A_634 : i32 to index
      %get3A_636 = arith.constant 48 : index
      %get3A_637 = tpu.vector_load %arg7[%get3A_635, %get3A_636] {strides = array<i32>} : memref<128x128xf32, #tpu.memory_space<vmem>>, vector<1x16xf32>,
      %get3A_638 = vector.shape_cast %get3A_637 : vector<1x16xf32> to vector<16xf32>
      %get3A_639 = arith.constant 64 : i32
      %get3A_640 = arith.index_cast %get3A_639 : i32 to index
      %get3A_641 = arith.constant 64 : index
      %get3A_642 = tpu.vector_load %arg7[%get3A_640, %get3A_641] {strides = array<i32>} : memref<128x128xf32, #tpu.memory_space<vmem>>, vector<1x16xf32>,
      %get3A_643 = vector.shape_cast %get3A_642 : vector<1x16xf32> to vector<16xf32>
      %get3A_644 = arith.constant 64 : i32
      %get3A_645 = arith.index_cast %get3A_644 : i32 to index
      %get3A_646 = arith.constant 80 : index
      %get3A_647 = tpu.vector_load %arg7[%get3A_645, %get3A_646] {strides = array<i32>} : memref<128x128xf32, #tpu.memory_space<vmem>>, vector<1x16xf32>,
      %get3A_648 = vector.shape_cast %get3A_647 : vector<1x16xf32> to vector<16xf32>
      %get3A_649 = arith.constant 64 : i32
      %get3A_650 = arith.index_cast %get3A_649 : i32 to index
      %get3A_651 = arith.constant 96 : index
      %get3A_652 = tpu.vector_load %arg7[%get3A_650, %get3A_651] {strides = array<i32>} : memref<128x128xf32, #tpu.memory_space<vmem>>, vector<1x16xf32>,
      %get3A_653 = vector.shape_cast %get3A_652 : vector<1x16xf32> to vector<16xf32>
      %get3A_654 = arith.constant 64 : i32
      %get3A_655 = arith.index_cast %get3A_654 : i32 to index
      %get3A_656 = arith.constant 112 : index
      %get3A_657 = tpu.vector_load %arg7[%get3A_655, %get3A_656] {strides = array<i32>} : memref<128x128xf32, #tpu.memory_space<vmem>>, vector<1x16xf32>,
      %get3A_658 = vector.shape_cast %get3A_657 : vector<1x16xf32> to vector<16xf32>
      %scan3A_659 = arith.constant 1 : i32
      %scan3A_660 = arith.constant 31 : i32
      %scan3A_661 = arith.addi %scan3A_659, %scan3A_660 : i32
      %scan3A_662 = arith.constant 1 : i32
      %scan3A_663:8 = scf.for %scan3A_821 = %scan3A_659 to %scan3A_661 step %scan3A_662 iter_args(%scan3A_822 = %get3A_623, %scan3A_823 = %get3A_628, %scan3A_824 = %get3A_633, %scan3A_825 = %get3A_638, %scan3A_826 = %get3A_643, %scan3A_827 = %get3A_648, %scan3A_828 = %get3A_653, %scan3A_829 = %get3A_658) -> (vector<16xf32>, vector<16xf32>, vector<16xf32>, vector<16xf32>, vector<16xf32>, vector<16xf32>, vector<16xf32>, vector<16xf32>)  : i32 {
        %add3A_830 = arith.constant 64 : i32
        %add3A_831 = arith.addi %add3A_830, %scan3A_821 : i32
        %get3A_832 = arith.index_cast %add3A_831 : i32 to index
        %get3A_833 = arith.constant 0 : index
        %get3A_834 = tpu.vector_load %arg7[%get3A_832, %get3A_833] {strides = array<i32>} : memref<128x128xf32, #tpu.memory_space<vmem>>, vector<1x16xf32>,
        %get3A_835 = vector.shape_cast %get3A_834 : vector<1x16xf32> to vector<16xf32>
        %max3A = arith.maximumf %scan3A_822, %get3A_835 : vector<16xf32>
        %add3A_836 = arith.constant 64 : i32
        %add3A_837 = arith.addi %add3A_836, %scan3A_821 : i32
        %get3A_838 = arith.index_cast %add3A_837 : i32 to index
        %get3A_839 = arith.constant 16 : index
        %get3A_840 = tpu.vector_load %arg7[%get3A_838, %get3A_839] {strides = array<i32>} : memref<128x128xf32, #tpu.memory_space<vmem>>, vector<1x16xf32>,
        %get3A_841 = vector.shape_cast %get3A_840 : vector<1x16xf32> to vector<16xf32>
        %max3A_842 = arith.maximumf %scan3A_823, %get3A_841 : vector<16xf32>
        %add3A_843 = arith.constant 64 : i32
        %add3A_844 = arith.addi %add3A_843, %scan3A_821 : i32
        %get3A_845 = arith.index_cast %add3A_844 : i32 to index
        %get3A_846 = arith.constant 32 : index
        %get3A_847 = tpu.vector_load %arg7[%get3A_845, %get3A_846] {strides = array<i32>} : memref<128x128xf32, #tpu.memory_space<vmem>>, vector<1x16xf32>,
        %get3A_848 = vector.shape_cast %get3A_847 : vector<1x16xf32> to vector<16xf32>
        %max3A_849 = arith.maximumf %scan3A_824, %get3A_848 : vector<16xf32>
        %add3A_850 = arith.constant 64 : i32
        %add3A_851 = arith.addi %add3A_850, %scan3A_821 : i32
        %get3A_852 = arith.index_cast %add3A_851 : i32 to index
        %get3A_853 = arith.constant 48 : index
        %get3A_854 = tpu.vector_load %arg7[%get3A_852, %get3A_853] {strides = array<i32>} : memref<128x128xf32, #tpu.memory_space<vmem>>, vector<1x16xf32>,
        %get3A_855 = vector.shape_cast %get3A_854 : vector<1x16xf32> to vector<16xf32>
        %max3A_856 = arith.maximumf %scan3A_825, %get3A_855 : vector<16xf32>
        %add3A_857 = arith.constant 64 : i32
        %add3A_858 = arith.addi %add3A_857, %scan3A_821 : i32
        %get3A_859 = arith.index_cast %add3A_858 : i32 to index
        %get3A_860 = arith.constant 64 : index
        %get3A_861 = tpu.vector_load %arg7[%get3A_859, %get3A_860] {strides = array<i32>} : memref<128x128xf32, #tpu.memory_space<vmem>>, vector<1x16xf32>,
        %get3A_862 = vector.shape_cast %get3A_861 : vector<1x16xf32> to vector<16xf32>
        %max3A_863 = arith.maximumf %scan3A_826, %get3A_862 : vector<16xf32>
        %add3A_864 = arith.constant 64 : i32
        %add3A_865 = arith.addi %add3A_864, %scan3A_821 : i32
        %get3A_866 = arith.index_cast %add3A_865 : i32 to index
        %get3A_867 = arith.constant 80 : index
        %get3A_868 = tpu.vector_load %arg7[%get3A_866, %get3A_867] {strides = array<i32>} : memref<128x128xf32, #tpu.memory_space<vmem>>, vector<1x16xf32>,
        %get3A_869 = vector.shape_cast %get3A_868 : vector<1x16xf32> to vector<16xf32>
        %max3A_870 = arith.maximumf %scan3A_827, %get3A_869 : vector<16xf32>
        %add3A_871 = arith.constant 64 : i32
        %add3A_872 = arith.addi %add3A_871, %scan3A_821 : i32
        %get3A_873 = arith.index_cast %add3A_872 : i32 to index
        %get3A_874 = arith.constant 96 : index
        %get3A_875 = tpu.vector_load %arg7[%get3A_873, %get3A_874] {strides = array<i32>} : memref<128x128xf32, #tpu.memory_space<vmem>>, vector<1x16xf32>,
        %get3A_876 = vector.shape_cast %get3A_875 : vector<1x16xf32> to vector<16xf32>
        %max3A_877 = arith.maximumf %scan3A_828, %get3A_876 : vector<16xf32>
        %add3A_878 = arith.constant 64 : i32
        %add3A_879 = arith.addi %add3A_878, %scan3A_821 : i32
        %get3A_880 = arith.index_cast %add3A_879 : i32 to index
        %get3A_881 = arith.constant 112 : index
        %get3A_882 = tpu.vector_load %arg7[%get3A_880, %get3A_881] {strides = array<i32>} : memref<128x128xf32, #tpu.memory_space<vmem>>, vector<1x16xf32>,
        %get3A_883 = vector.shape_cast %get3A_882 : vector<1x16xf32> to vector<16xf32>
        %max3A_884 = arith.maximumf %scan3A_829, %get3A_883 : vector<16xf32>
        scf.yield %max3A, %max3A_842, %max3A_849, %max3A_856, %max3A_863, %max3A_870, %max3A_877, %max3A_884 : vector<16xf32>, vector<16xf32>, vector<16xf32>, vector<16xf32>, vector<16xf32>, vector<16xf32>, vector<16xf32>, vector<16xf32>
      }
      %scan3A_664 = arith.constant 31 : i32
      %swap3A_665 = arith.constant 2 : i32
      %swap3A_666 = arith.index_cast %swap3A_665 : i32 to index
      %swap3A_667 = arith.constant 0 : index
      %swap3A_668 = tpu.vector_load %arg8[%swap3A_666, %swap3A_667] {strides = array<i32>} : memref<4x128xf32, #tpu.memory_space<vmem>>, vector<1x16xf32>,
      %swap3A_669 = vector.shape_cast %swap3A_668 : vector<1x16xf32> to vector<16xf32>
      %swap3A_670 = vector.shape_cast %scan3A_663#0 : vector<16xf32> to vector<1x16xf32>
      tpu.vector_store %arg8[%swap3A_666, %swap3A_667], %swap3A_670 {strides = array<i32>} : memref<4x128xf32, #tpu.memory_space<vmem>>, vector<1x16xf32>,
      %swap3A_671 = arith.constant 2 : i32
      %swap3A_672 = arith.index_cast %swap3A_671 : i32 to index
      %swap3A_673 = arith.constant 16 : index
      %swap3A_674 = tpu.vector_load %arg8[%swap3A_672, %swap3A_673] {strides = array<i32>} : memref<4x128xf32, #tpu.memory_space<vmem>>, vector<1x16xf32>,
      %swap3A_675 = vector.shape_cast %swap3A_674 : vector<1x16xf32> to vector<16xf32>
      %swap3A_676 = vector.shape_cast %scan3A_663#1 : vector<16xf32> to vector<1x16xf32>
      tpu.vector_store %arg8[%swap3A_672, %swap3A_673], %swap3A_676 {strides = array<i32>} : memref<4x128xf32, #tpu.memory_space<vmem>>, vector<1x16xf32>,
      %swap3A_677 = arith.constant 2 : i32
      %swap3A_678 = arith.index_cast %swap3A_677 : i32 to index
      %swap3A_679 = arith.constant 32 : index
      %swap3A_680 = tpu.vector_load %arg8[%swap3A_678, %swap3A_679] {strides = array<i32>} : memref<4x128xf32, #tpu.memory_space<vmem>>, vector<1x16xf32>,
      %swap3A_681 = vector.shape_cast %swap3A_680 : vector<1x16xf32> to vector<16xf32>
      %swap3A_682 = vector.shape_cast %scan3A_663#2 : vector<16xf32> to vector<1x16xf32>
      tpu.vector_store %arg8[%swap3A_678, %swap3A_679], %swap3A_682 {strides = array<i32>} : memref<4x128xf32, #tpu.memory_space<vmem>>, vector<1x16xf32>,
      %swap3A_683 = arith.constant 2 : i32
      %swap3A_684 = arith.index_cast %swap3A_683 : i32 to index
      %swap3A_685 = arith.constant 48 : index
      %swap3A_686 = tpu.vector_load %arg8[%swap3A_684, %swap3A_685] {strides = array<i32>} : memref<4x128xf32, #tpu.memory_space<vmem>>, vector<1x16xf32>,
      %swap3A_687 = vector.shape_cast %swap3A_686 : vector<1x16xf32> to vector<16xf32>
      %swap3A_688 = vector.shape_cast %scan3A_663#3 : vector<16xf32> to vector<1x16xf32>
      tpu.vector_store %arg8[%swap3A_684, %swap3A_685], %swap3A_688 {strides = array<i32>} : memref<4x128xf32, #tpu.memory_space<vmem>>, vector<1x16xf32>,
      %swap3A_689 = arith.constant 2 : i32
      %swap3A_690 = arith.index_cast %swap3A_689 : i32 to index
      %swap3A_691 = arith.constant 64 : index
      %swap3A_692 = tpu.vector_load %arg8[%swap3A_690, %swap3A_691] {strides = array<i32>} : memref<4x128xf32, #tpu.memory_space<vmem>>, vector<1x16xf32>,
      %swap3A_693 = vector.shape_cast %swap3A_692 : vector<1x16xf32> to vector<16xf32>
      %swap3A_694 = vector.shape_cast %scan3A_663#4 : vector<16xf32> to vector<1x16xf32>
      tpu.vector_store %arg8[%swap3A_690, %swap3A_691], %swap3A_694 {strides = array<i32>} : memref<4x128xf32, #tpu.memory_space<vmem>>, vector<1x16xf32>,
      %swap3A_695 = arith.constant 2 : i32
      %swap3A_696 = arith.index_cast %swap3A_695 : i32 to index
      %swap3A_697 = arith.constant 80 : index
      %swap3A_698 = tpu.vector_load %arg8[%swap3A_696, %swap3A_697] {strides = array<i32>} : memref<4x128xf32, #tpu.memory_space<vmem>>, vector<1x16xf32>,
      %swap3A_699 = vector.shape_cast %swap3A_698 : vector<1x16xf32> to vector<16xf32>
      %swap3A_700 = vector.shape_cast %scan3A_663#5 : vector<16xf32> to vector<1x16xf32>
      tpu.vector_store %arg8[%swap3A_696, %swap3A_697], %swap3A_700 {strides = array<i32>} : memref<4x128xf32, #tpu.memory_space<vmem>>, vector<1x16xf32>,
      %swap3A_701 = arith.constant 2 : i32
      %swap3A_702 = arith.index_cast %swap3A_701 : i32 to index
      %swap3A_703 = arith.constant 96 : index
      %swap3A_704 = tpu.vector_load %arg8[%swap3A_702, %swap3A_703] {strides = array<i32>} : memref<4x128xf32, #tpu.memory_space<vmem>>, vector<1x16xf32>,
      %swap3A_705 = vector.shape_cast %swap3A_704 : vector<1x16xf32> to vector<16xf32>
      %swap3A_706 = vector.shape_cast %scan3A_663#6 : vector<16xf32> to vector<1x16xf32>
      tpu.vector_store %arg8[%swap3A_702, %swap3A_703], %swap3A_706 {strides = array<i32>} : memref<4x128xf32, #tpu.memory_space<vmem>>, vector<1x16xf32>,
      %swap3A_707 = arith.constant 2 : i32
      %swap3A_708 = arith.index_cast %swap3A_707 : i32 to index
      %swap3A_709 = arith.constant 112 : index
      %swap3A_710 = tpu.vector_load %arg8[%swap3A_708, %swap3A_709] {strides = array<i32>} : memref<4x128xf32, #tpu.memory_space<vmem>>, vector<1x16xf32>,
      %swap3A_711 = vector.shape_cast %swap3A_710 : vector<1x16xf32> to vector<16xf32>
      %swap3A_712 = vector.shape_cast %scan3A_663#7 : vector<16xf32> to vector<1x16xf32>
      tpu.vector_store %arg8[%swap3A_708, %swap3A_709], %swap3A_712 {strides = array<i32>} : memref<4x128xf32, #tpu.memory_space<vmem>>, vector<1x16xf32>,
      %get3A_713 = arith.constant 96 : i32
      %get3A_714 = arith.index_cast %get3A_713 : i32 to index
      %get3A_715 = arith.constant 0 : index
      %get3A_716 = tpu.vector_load %arg7[%get3A_714, %get3A_715] {strides = array<i32>} : memref<128x128xf32, #tpu.memory_space<vmem>>, vector<1x16xf32>,
      %get3A_717 = vector.shape_cast %get3A_716 : vector<1x16xf32> to vector<16xf32>
      %get3A_718 = arith.constant 96 : i32
      %get3A_719 = arith.index_cast %get3A_718 : i32 to index
      %get3A_720 = arith.constant 16 : index
      %get3A_721 = tpu.vector_load %arg7[%get3A_719, %get3A_720] {strides = array<i32>} : memref<128x128xf32, #tpu.memory_space<vmem>>, vector<1x16xf32>,
      %get3A_722 = vector.shape_cast %get3A_721 : vector<1x16xf32> to vector<16xf32>
      %get3A_723 = arith.constant 96 : i32
      %get3A_724 = arith.index_cast %get3A_723 : i32 to index
      %get3A_725 = arith.constant 32 : index
      %get3A_726 = tpu.vector_load %arg7[%get3A_724, %get3A_725] {strides = array<i32>} : memref<128x128xf32, #tpu.memory_space<vmem>>, vector<1x16xf32>,
      %get3A_727 = vector.shape_cast %get3A_726 : vector<1x16xf32> to vector<16xf32>
      %get3A_728 = arith.constant 96 : i32
      %get3A_729 = arith.index_cast %get3A_728 : i32 to index
      %get3A_730 = arith.constant 48 : index
      %get3A_731 = tpu.vector_load %arg7[%get3A_729, %get3A_730] {strides = array<i32>} : memref<128x128xf32, #tpu.memory_space<vmem>>, vector<1x16xf32>,
      %get3A_732 = vector.shape_cast %get3A_731 : vector<1x16xf32> to vector<16xf32>
      %get3A_733 = arith.constant 96 : i32
      %get3A_734 = arith.index_cast %get3A_733 : i32 to index
      %get3A_735 = arith.constant 64 : index
      %get3A_736 = tpu.vector_load %arg7[%get3A_734, %get3A_735] {strides = array<i32>} : memref<128x128xf32, #tpu.memory_space<vmem>>, vector<1x16xf32>,
      %get3A_737 = vector.shape_cast %get3A_736 : vector<1x16xf32> to vector<16xf32>
      %get3A_738 = arith.constant 96 : i32
      %get3A_739 = arith.index_cast %get3A_738 : i32 to index
      %get3A_740 = arith.constant 80 : index
      %get3A_741 = tpu.vector_load %arg7[%get3A_739, %get3A_740] {strides = array<i32>} : memref<128x128xf32, #tpu.memory_space<vmem>>, vector<1x16xf32>,
      %get3A_742 = vector.shape_cast %get3A_741 : vector<1x16xf32> to vector<16xf32>
      %get3A_743 = arith.constant 96 : i32
      %get3A_744 = arith.index_cast %get3A_743 : i32 to index
      %get3A_745 = arith.constant 96 : index
      %get3A_746 = tpu.vector_load %arg7[%get3A_744, %get3A_745] {strides = array<i32>} : memref<128x128xf32, #tpu.memory_space<vmem>>, vector<1x16xf32>,
      %get3A_747 = vector.shape_cast %get3A_746 : vector<1x16xf32> to vector<16xf32>
      %get3A_748 = arith.constant 96 : i32
      %get3A_749 = arith.index_cast %get3A_748 : i32 to index
      %get3A_750 = arith.constant 112 : index
      %get3A_751 = tpu.vector_load %arg7[%get3A_749, %get3A_750] {strides = array<i32>} : memref<128x128xf32, #tpu.memory_space<vmem>>, vector<1x16xf32>,
      %get3A_752 = vector.shape_cast %get3A_751 : vector<1x16xf32> to vector<16xf32>
      %scan3A_753 = arith.constant 1 : i32
      %scan3A_754 = arith.constant 31 : i32
      %scan3A_755 = arith.addi %scan3A_753, %scan3A_754 : i32
      %scan3A_756 = arith.constant 1 : i32
      %scan3A_757:8 = scf.for %scan3A_821 = %scan3A_753 to %scan3A_755 step %scan3A_756 iter_args(%scan3A_822 = %get3A_717, %scan3A_823 = %get3A_722, %scan3A_824 = %get3A_727, %scan3A_825 = %get3A_732, %scan3A_826 = %get3A_737, %scan3A_827 = %get3A_742, %scan3A_828 = %get3A_747, %scan3A_829 = %get3A_752) -> (vector<16xf32>, vector<16xf32>, vector<16xf32>, vector<16xf32>, vector<16xf32>, vector<16xf32>, vector<16xf32>, vector<16xf32>)  : i32 {
        %add3A_830 = arith.constant 96 : i32
        %add3A_831 = arith.addi %add3A_830, %scan3A_821 : i32
        %get3A_832 = arith.index_cast %add3A_831 : i32 to index
        %get3A_833 = arith.constant 0 : index
        %get3A_834 = tpu.vector_load %arg7[%get3A_832, %get3A_833] {strides = array<i32>} : memref<128x128xf32, #tpu.memory_space<vmem>>, vector<1x16xf32>,
        %get3A_835 = vector.shape_cast %get3A_834 : vector<1x16xf32> to vector<16xf32>
        %max3A = arith.maximumf %scan3A_822, %get3A_835 : vector<16xf32>
        %add3A_836 = arith.constant 96 : i32
        %add3A_837 = arith.addi %add3A_836, %scan3A_821 : i32
        %get3A_838 = arith.index_cast %add3A_837 : i32 to index
        %get3A_839 = arith.constant 16 : index
        %get3A_840 = tpu.vector_load %arg7[%get3A_838, %get3A_839] {strides = array<i32>} : memref<128x128xf32, #tpu.memory_space<vmem>>, vector<1x16xf32>,
        %get3A_841 = vector.shape_cast %get3A_840 : vector<1x16xf32> to vector<16xf32>
        %max3A_842 = arith.maximumf %scan3A_823, %get3A_841 : vector<16xf32>
        %add3A_843 = arith.constant 96 : i32
        %add3A_844 = arith.addi %add3A_843, %scan3A_821 : i32
        %get3A_845 = arith.index_cast %add3A_844 : i32 to index
        %get3A_846 = arith.constant 32 : index
        %get3A_847 = tpu.vector_load %arg7[%get3A_845, %get3A_846] {strides = array<i32>} : memref<128x128xf32, #tpu.memory_space<vmem>>, vector<1x16xf32>,
        %get3A_848 = vector.shape_cast %get3A_847 : vector<1x16xf32> to vector<16xf32>
        %max3A_849 = arith.maximumf %scan3A_824, %get3A_848 : vector<16xf32>
        %add3A_850 = arith.constant 96 : i32
        %add3A_851 = arith.addi %add3A_850, %scan3A_821 : i32
        %get3A_852 = arith.index_cast %add3A_851 : i32 to index
        %get3A_853 = arith.constant 48 : index
        %get3A_854 = tpu.vector_load %arg7[%get3A_852, %get3A_853] {strides = array<i32>} : memref<128x128xf32, #tpu.memory_space<vmem>>, vector<1x16xf32>,
        %get3A_855 = vector.shape_cast %get3A_854 : vector<1x16xf32> to vector<16xf32>
        %max3A_856 = arith.maximumf %scan3A_825, %get3A_855 : vector<16xf32>
        %add3A_857 = arith.constant 96 : i32
        %add3A_858 = arith.addi %add3A_857, %scan3A_821 : i32
        %get3A_859 = arith.index_cast %add3A_858 : i32 to index
        %get3A_860 = arith.constant 64 : index
        %get3A_861 = tpu.vector_load %arg7[%get3A_859, %get3A_860] {strides = array<i32>} : memref<128x128xf32, #tpu.memory_space<vmem>>, vector<1x16xf32>,
        %get3A_862 = vector.shape_cast %get3A_861 : vector<1x16xf32> to vector<16xf32>
        %max3A_863 = arith.maximumf %scan3A_826, %get3A_862 : vector<16xf32>
        %add3A_864 = arith.constant 96 : i32
        %add3A_865 = arith.addi %add3A_864, %scan3A_821 : i32
        %get3A_866 = arith.index_cast %add3A_865 : i32 to index
        %get3A_867 = arith.constant 80 : index
        %get3A_868 = tpu.vector_load %arg7[%get3A_866, %get3A_867] {strides = array<i32>} : memref<128x128xf32, #tpu.memory_space<vmem>>, vector<1x16xf32>,
        %get3A_869 = vector.shape_cast %get3A_868 : vector<1x16xf32> to vector<16xf32>
        %max3A_870 = arith.maximumf %scan3A_827, %get3A_869 : vector<16xf32>
        %add3A_871 = arith.constant 96 : i32
        %add3A_872 = arith.addi %add3A_871, %scan3A_821 : i32
        %get3A_873 = arith.index_cast %add3A_872 : i32 to index
        %get3A_874 = arith.constant 96 : index
        %get3A_875 = tpu.vector_load %arg7[%get3A_873, %get3A_874] {strides = array<i32>} : memref<128x128xf32, #tpu.memory_space<vmem>>, vector<1x16xf32>,
        %get3A_876 = vector.shape_cast %get3A_875 : vector<1x16xf32> to vector<16xf32>
        %max3A_877 = arith.maximumf %scan3A_828, %get3A_876 : vector<16xf32>
        %add3A_878 = arith.constant 96 : i32
        %add3A_879 = arith.addi %add3A_878, %scan3A_821 : i32
        %get3A_880 = arith.index_cast %add3A_879 : i32 to index
        %get3A_881 = arith.constant 112 : index
        %get3A_882 = tpu.vector_load %arg7[%get3A_880, %get3A_881] {strides = array<i32>} : memref<128x128xf32, #tpu.memory_space<vmem>>, vector<1x16xf32>,
        %get3A_883 = vector.shape_cast %get3A_882 : vector<1x16xf32> to vector<16xf32>
        %max3A_884 = arith.maximumf %scan3A_829, %get3A_883 : vector<16xf32>
        scf.yield %max3A, %max3A_842, %max3A_849, %max3A_856, %max3A_863, %max3A_870, %max3A_877, %max3A_884 : vector<16xf32>, vector<16xf32>, vector<16xf32>, vector<16xf32>, vector<16xf32>, vector<16xf32>, vector<16xf32>, vector<16xf32>
      }
      %scan3A_758 = arith.constant 31 : i32
      %swap3A_759 = arith.constant 3 : i32
      %swap3A_760 = arith.index_cast %swap3A_759 : i32 to index
      %swap3A_761 = arith.constant 0 : index
      %swap3A_762 = tpu.vector_load %arg8[%swap3A_760, %swap3A_761] {strides = array<i32>} : memref<4x128xf32, #tpu.memory_space<vmem>>, vector<1x16xf32>,
      %swap3A_763 = vector.shape_cast %swap3A_762 : vector<1x16xf32> to vector<16xf32>
      %swap3A_764 = vector.shape_cast %scan3A_757#0 : vector<16xf32> to vector<1x16xf32>
      tpu.vector_store %arg8[%swap3A_760, %swap3A_761], %swap3A_764 {strides = array<i32>} : memref<4x128xf32, #tpu.memory_space<vmem>>, vector<1x16xf32>,
      %swap3A_765 = arith.constant 3 : i32
      %swap3A_766 = arith.index_cast %swap3A_765 : i32 to index
      %swap3A_767 = arith.constant 16 : index
      %swap3A_768 = tpu.vector_load %arg8[%swap3A_766, %swap3A_767] {strides = array<i32>} : memref<4x128xf32, #tpu.memory_space<vmem>>, vector<1x16xf32>,
      %swap3A_769 = vector.shape_cast %swap3A_768 : vector<1x16xf32> to vector<16xf32>
      %swap3A_770 = vector.shape_cast %scan3A_757#1 : vector<16xf32> to vector<1x16xf32>
      tpu.vector_store %arg8[%swap3A_766, %swap3A_767], %swap3A_770 {strides = array<i32>} : memref<4x128xf32, #tpu.memory_space<vmem>>, vector<1x16xf32>,
      %swap3A_771 = arith.constant 3 : i32
      %swap3A_772 = arith.index_cast %swap3A_771 : i32 to index
      %swap3A_773 = arith.constant 32 : index
      %swap3A_774 = tpu.vector_load %arg8[%swap3A_772, %swap3A_773] {strides = array<i32>} : memref<4x128xf32, #tpu.memory_space<vmem>>, vector<1x16xf32>,
      %swap3A_775 = vector.shape_cast %swap3A_774 : vector<1x16xf32> to vector<16xf32>
      %swap3A_776 = vector.shape_cast %scan3A_757#2 : vector<16xf32> to vector<1x16xf32>
      tpu.vector_store %arg8[%swap3A_772, %swap3A_773], %swap3A_776 {strides = array<i32>} : memref<4x128xf32, #tpu.memory_space<vmem>>, vector<1x16xf32>,
      %swap3A_777 = arith.constant 3 : i32
      %swap3A_778 = arith.index_cast %swap3A_777 : i32 to index
      %swap3A_779 = arith.constant 48 : index
      %swap3A_780 = tpu.vector_load %arg8[%swap3A_778, %swap3A_779] {strides = array<i32>} : memref<4x128xf32, #tpu.memory_space<vmem>>, vector<1x16xf32>,
      %swap3A_781 = vector.shape_cast %swap3A_780 : vector<1x16xf32> to vector<16xf32>
      %swap3A_782 = vector.shape_cast %scan3A_757#3 : vector<16xf32> to vector<1x16xf32>
      tpu.vector_store %arg8[%swap3A_778, %swap3A_779], %swap3A_782 {strides = array<i32>} : memref<4x128xf32, #tpu.memory_space<vmem>>, vector<1x16xf32>,
      %swap3A_783 = arith.constant 3 : i32
      %swap3A_784 = arith.index_cast %swap3A_783 : i32 to index
      %swap3A_785 = arith.constant 64 : index
      %swap3A_786 = tpu.vector_load %arg8[%swap3A_784, %swap3A_785] {strides = array<i32>} : memref<4x128xf32, #tpu.memory_space<vmem>>, vector<1x16xf32>,
      %swap3A_787 = vector.shape_cast %swap3A_786 : vector<1x16xf32> to vector<16xf32>
      %swap3A_788 = vector.shape_cast %scan3A_757#4 : vector<16xf32> to vector<1x16xf32>
      tpu.vector_store %arg8[%swap3A_784, %swap3A_785], %swap3A_788 {strides = array<i32>} : memref<4x128xf32, #tpu.memory_space<vmem>>, vector<1x16xf32>,
      %swap3A_789 = arith.constant 3 : i32
      %swap3A_790 = arith.index_cast %swap3A_789 : i32 to index
      %swap3A_791 = arith.constant 80 : index
      %swap3A_792 = tpu.vector_load %arg8[%swap3A_790, %swap3A_791] {strides = array<i32>} : memref<4x128xf32, #tpu.memory_space<vmem>>, vector<1x16xf32>,
      %swap3A_793 = vector.shape_cast %swap3A_792 : vector<1x16xf32> to vector<16xf32>
      %swap3A_794 = vector.shape_cast %scan3A_757#5 : vector<16xf32> to vector<1x16xf32>
      tpu.vector_store %arg8[%swap3A_790, %swap3A_791], %swap3A_794 {strides = array<i32>} : memref<4x128xf32, #tpu.memory_space<vmem>>, vector<1x16xf32>,
      %swap3A_795 = arith.constant 3 : i32
      %swap3A_796 = arith.index_cast %swap3A_795 : i32 to index
      %swap3A_797 = arith.constant 96 : index
      %swap3A_798 = tpu.vector_load %arg8[%swap3A_796, %swap3A_797] {strides = array<i32>} : memref<4x128xf32, #tpu.memory_space<vmem>>, vector<1x16xf32>,
      %swap3A_799 = vector.shape_cast %swap3A_798 : vector<1x16xf32> to vector<16xf32>
      %swap3A_800 = vector.shape_cast %scan3A_757#6 : vector<16xf32> to vector<1x16xf32>
      tpu.vector_store %arg8[%swap3A_796, %swap3A_797], %swap3A_800 {strides = array<i32>} : memref<4x128xf32, #tpu.memory_space<vmem>>, vector<1x16xf32>,
      %swap3A_801 = arith.constant 3 : i32
      %swap3A_802 = arith.index_cast %swap3A_801 : i32 to index
      %swap3A_803 = arith.constant 112 : index
      %swap3A_804 = tpu.vector_load %arg8[%swap3A_802, %swap3A_803] {strides = array<i32>} : memref<4x128xf32, #tpu.memory_space<vmem>>, vector<1x16xf32>,
      %swap3A_805 = vector.shape_cast %swap3A_804 : vector<1x16xf32> to vector<16xf32>
      %swap3A_806 = vector.shape_cast %scan3A_757#7 : vector<16xf32> to vector<1x16xf32>
      tpu.vector_store %arg8[%swap3A_802, %swap3A_803], %swap3A_806 {strides = array<i32>} : memref<4x128xf32, #tpu.memory_space<vmem>>, vector<1x16xf32>,
      %mul3A_807 = arith.constant 256 : i32
      %mul3A_808 = arith.muli %add3A, %mul3A_807 : i32
      %mul3A_809 = arith.constant 4 : i32
      %mul3A_810 = arith.muli %add3A_22, %mul3A_809 : i32
      %add3A_811 = arith.addi %mul3A_808, %mul3A_810 : i32
      %dma_start3A_812 = arith.constant 0 : i32
      %dma_start3A_813 = tpu.memref_slice %arg4[%add3A_811, %dma_start3A_812] : memref<8192x128xf32, #tpu.memory_space<hbm>> -> memref<4x128xf32, #tpu.memory_space<hbm>>
      %dma_start3A_814 = arith.constant 0 : i32
      %dma_start3A_815 = tpu.memref_slice %arg4[%add3A_811, %dma_start3A_814] : memref<8192x128xf32, #tpu.memory_space<hbm>> -> memref<4x128xf32, #tpu.memory_space<hbm>>
      tpu.enqueue_dma source(%arg8 : memref<4x128xf32, #tpu.memory_space<vmem>>) target(%dma_start3A_815 : memref<4x128xf32, #tpu.memory_space<hbm>>) target_semaphore(%arg11 : memref<!tpu.dma_semaphore, #tpu.memory_space<semaphore_mem>>)
      %dma_wait3A_816 = arith.constant 0 : i32
      %dma_wait3A_817 = tpu.memref_slice %arg4[%add3A_811, %dma_wait3A_816] : memref<8192x128xf32, #tpu.memory_space<hbm>> -> memref<4x128xf32, #tpu.memory_space<hbm>>
      %dma_wait3A_818 = arith.constant 0 : i32
      %dma_wait3A_819 = tpu.memref_slice %arg4[%add3A_811, %dma_wait3A_818] : memref<8192x128xf32, #tpu.memory_space<hbm>> -> memref<4x128xf32, #tpu.memory_space<hbm>>
      tpu.wait_dma2 semaphore(%arg11 : memref<!tpu.dma_semaphore, #tpu.memory_space<semaphore_mem>>) src(%arg8 : memref<4x128xf32, #tpu.memory_space<vmem>>) dst(%dma_wait3A_819 : memref<4x128xf32, #tpu.memory_space<hbm>>)
      %scan3A_820 = arith.constant 0 : i32
      scf.yield %scan3A_820 : i32
    }
    %scan3A_14 = arith.constant 32 : i32
    return
  }
}

module attributes {stable_mosaic.version = 14 : i64} {
  func.func @_fps_body(%arg0: memref<3x8x4096xf32, #tpu.memory_space<vmem>>, %arg1: memref<3x8x1024xf32, #tpu.memory_space<vmem>>, %arg2: memref<8x4096xf32, #tpu.memory_space<vmem>>) attributes {dimension_semantics = [], scalar_prefetch = 0 : i64, scratch_operands = 1 : i64, tpu.core_type = #tpu.core_type<tc>} {
    %get3A = arith.constant 0 : index
    %get3A_0 = arith.constant 0 : index
    %get3A_1 = arith.constant 0 : index
    %get3A_2 = vector.load %arg0[%get3A, %get3A_0, %get3A_1] : memref<3x8x4096xf32, #tpu.memory_space<vmem>>, vector<1x8x4096xf32>
    %get3A_3 = vector.shape_cast %get3A_2 : vector<1x8x4096xf32> to vector<8x4096xf32>
    %get3A_4 = arith.constant 1 : index
    %get3A_5 = arith.constant 0 : index
    %get3A_6 = arith.constant 0 : index
    %get3A_7 = vector.load %arg0[%get3A_4, %get3A_5, %get3A_6] : memref<3x8x4096xf32, #tpu.memory_space<vmem>>, vector<1x8x4096xf32>
    %get3A_8 = vector.shape_cast %get3A_7 : vector<1x8x4096xf32> to vector<8x4096xf32>
    %get3A_9 = arith.constant 2 : index
    %get3A_10 = arith.constant 0 : index
    %get3A_11 = arith.constant 0 : index
    %get3A_12 = vector.load %arg0[%get3A_9, %get3A_10, %get3A_11] : memref<3x8x4096xf32, #tpu.memory_space<vmem>>, vector<1x8x4096xf32>
    %get3A_13 = vector.shape_cast %get3A_12 : vector<1x8x4096xf32> to vector<8x4096xf32>
    %iota3A = tpu.iota {dimensions = array<i32: 1>} : vector<8x4096xi32>
    %iota3A_14 = tpu.iota {dimensions = array<i32: 1>} : vector<8x1024xi32>
    %broadcast_in_dim3A = arith.constant 1.000000e+10 : f32
    %broadcast_in_dim3A_15 = vector.broadcast %broadcast_in_dim3A : f32 to vector<8x4096xf32>
    %swap3A = arith.constant 0 : index
    %swap3A_16 = arith.constant 0 : index
    %swap3A_17 = vector.load %arg2[%swap3A, %swap3A_16] : memref<8x4096xf32, #tpu.memory_space<vmem>>, vector<8x4096xf32>
    tpu.vector_store %arg2[%swap3A, %swap3A_16], %broadcast_in_dim3A_15 {strides = array<i32>} : memref<8x4096xf32, #tpu.memory_space<vmem>>, vector<8x4096xf32>,
    %broadcast_in_dim3A_18 = arith.constant 0 : i32
    %broadcast_in_dim3A_19 = vector.broadcast %broadcast_in_dim3A_18 : i32 to vector<8x1xi32>
    %scan3A = arith.constant 0 : i32
    %scan3A_20 = arith.constant 1024 : i32
    %scan3A_21 = arith.addi %scan3A, %scan3A_20 : i32
    %scan3A_22 = arith.constant 1 : i32
    %scan3A_23 = scf.for %scan3A_25 = %scan3A to %scan3A_21 step %scan3A_22 iter_args(%scan3A_26 = %broadcast_in_dim3A_19) -> (vector<8x1xi32>)  : i32 {
      %eq3A = vector.broadcast %scan3A_26 : vector<8x1xi32> to vector<8x4096xi32>
      %eq3A_27 = arith.cmpi eq, %iota3A, %eq3A : vector<8x4096xi32>
      %jit3A = arith.constant 0.000000e+00 : f32
      %broadcast_in_dim3A_28 = vector.broadcast %jit3A : f32 to vector<8x4096xf32>
      %select_n3A = arith.select %eq3A_27, %get3A_3, %broadcast_in_dim3A_28 : vector<8x4096xi1>, vector<8x4096xf32>
      %reduce_sum3A = arith.constant dense<0.000000e+00> : vector<8xf32>
      %reduce_sum3A_29 = vector.multi_reduction <add>, %select_n3A, %reduce_sum3A [1] : vector<8x4096xf32> to vector<8xf32>
      %broadcast_in_dim3A_30 = vector.shape_cast %reduce_sum3A_29 : vector<8xf32> to vector<8x1xf32>
      %jit3A_31 = arith.constant 0.000000e+00 : f32
      %broadcast_in_dim3A_32 = vector.broadcast %jit3A_31 : f32 to vector<8x4096xf32>
      %select_n3A_33 = arith.select %eq3A_27, %get3A_8, %broadcast_in_dim3A_32 : vector<8x4096xi1>, vector<8x4096xf32>
      %reduce_sum3A_34 = arith.constant dense<0.000000e+00> : vector<8xf32>
      %reduce_sum3A_35 = vector.multi_reduction <add>, %select_n3A_33, %reduce_sum3A_34 [1] : vector<8x4096xf32> to vector<8xf32>
      %broadcast_in_dim3A_36 = vector.shape_cast %reduce_sum3A_35 : vector<8xf32> to vector<8x1xf32>
      %jit3A_37 = arith.constant 0.000000e+00 : f32
      %broadcast_in_dim3A_38 = vector.broadcast %jit3A_37 : f32 to vector<8x4096xf32>
      %select_n3A_39 = arith.select %eq3A_27, %get3A_13, %broadcast_in_dim3A_38 : vector<8x4096xi1>, vector<8x4096xf32>
      %reduce_sum3A_40 = arith.constant dense<0.000000e+00> : vector<8xf32>
      %reduce_sum3A_41 = vector.multi_reduction <add>, %select_n3A_39, %reduce_sum3A_40 [1] : vector<8x4096xf32> to vector<8xf32>
      %broadcast_in_dim3A_42 = vector.shape_cast %reduce_sum3A_41 : vector<8xf32> to vector<8x1xf32>
      %eq3A_43 = vector.broadcast %scan3A_25 : i32 to vector<8x1024xi32>
      %eq3A_44 = arith.cmpi eq, %iota3A_14, %eq3A_43 : vector<8x1024xi32>
      %get3A_45 = arith.constant 0 : index
      %get3A_46 = arith.constant 0 : index
      %get3A_47 = arith.constant 0 : index
      %get3A_48 = vector.load %arg1[%get3A_45, %get3A_46, %get3A_47] : memref<3x8x1024xf32, #tpu.memory_space<vmem>>, vector<1x8x1024xf32>
      %get3A_49 = vector.shape_cast %get3A_48 : vector<1x8x1024xf32> to vector<8x1024xf32>
      %broadcast_in_dim3A_50 = vector.shape_cast %broadcast_in_dim3A_30 : vector<8x1xf32> to vector<8x1xf32>
      %broadcast_in_dim3A_51 = vector.broadcast %broadcast_in_dim3A_50 : vector<8x1xf32> to vector<8x1024xf32>
      %select_n3A_52 = arith.select %eq3A_44, %broadcast_in_dim3A_51, %get3A_49 : vector<8x1024xi1>, vector<8x1024xf32>
      %swap3A_53 = arith.constant 0 : index
      %swap3A_54 = arith.constant 0 : index
      %swap3A_55 = arith.constant 0 : index
      %swap3A_56 = vector.load %arg1[%swap3A_53, %swap3A_54, %swap3A_55] : memref<3x8x1024xf32, #tpu.memory_space<vmem>>, vector<1x8x1024xf32>
      %swap3A_57 = vector.shape_cast %swap3A_56 : vector<1x8x1024xf32> to vector<8x1024xf32>
      %swap3A_58 = vector.shape_cast %select_n3A_52 : vector<8x1024xf32> to vector<1x8x1024xf32>
      tpu.vector_store %arg1[%swap3A_53, %swap3A_54, %swap3A_55], %swap3A_58 {strides = array<i32>} : memref<3x8x1024xf32, #tpu.memory_space<vmem>>, vector<1x8x1024xf32>,
      %get3A_59 = arith.constant 1 : index
      %get3A_60 = arith.constant 0 : index
      %get3A_61 = arith.constant 0 : index
      %get3A_62 = vector.load %arg1[%get3A_59, %get3A_60, %get3A_61] : memref<3x8x1024xf32, #tpu.memory_space<vmem>>, vector<1x8x1024xf32>
      %get3A_63 = vector.shape_cast %get3A_62 : vector<1x8x1024xf32> to vector<8x1024xf32>
      %broadcast_in_dim3A_64 = vector.shape_cast %broadcast_in_dim3A_36 : vector<8x1xf32> to vector<8x1xf32>
      %broadcast_in_dim3A_65 = vector.broadcast %broadcast_in_dim3A_64 : vector<8x1xf32> to vector<8x1024xf32>
      %select_n3A_66 = arith.select %eq3A_44, %broadcast_in_dim3A_65, %get3A_63 : vector<8x1024xi1>, vector<8x1024xf32>
      %swap3A_67 = arith.constant 1 : index
      %swap3A_68 = arith.constant 0 : index
      %swap3A_69 = arith.constant 0 : index
      %swap3A_70 = vector.load %arg1[%swap3A_67, %swap3A_68, %swap3A_69] : memref<3x8x1024xf32, #tpu.memory_space<vmem>>, vector<1x8x1024xf32>
      %swap3A_71 = vector.shape_cast %swap3A_70 : vector<1x8x1024xf32> to vector<8x1024xf32>
      %swap3A_72 = vector.shape_cast %select_n3A_66 : vector<8x1024xf32> to vector<1x8x1024xf32>
      tpu.vector_store %arg1[%swap3A_67, %swap3A_68, %swap3A_69], %swap3A_72 {strides = array<i32>} : memref<3x8x1024xf32, #tpu.memory_space<vmem>>, vector<1x8x1024xf32>,
      %get3A_73 = arith.constant 2 : index
      %get3A_74 = arith.constant 0 : index
      %get3A_75 = arith.constant 0 : index
      %get3A_76 = vector.load %arg1[%get3A_73, %get3A_74, %get3A_75] : memref<3x8x1024xf32, #tpu.memory_space<vmem>>, vector<1x8x1024xf32>
      %get3A_77 = vector.shape_cast %get3A_76 : vector<1x8x1024xf32> to vector<8x1024xf32>
      %broadcast_in_dim3A_78 = vector.shape_cast %broadcast_in_dim3A_42 : vector<8x1xf32> to vector<8x1xf32>
      %broadcast_in_dim3A_79 = vector.broadcast %broadcast_in_dim3A_78 : vector<8x1xf32> to vector<8x1024xf32>
      %select_n3A_80 = arith.select %eq3A_44, %broadcast_in_dim3A_79, %get3A_77 : vector<8x1024xi1>, vector<8x1024xf32>
      %swap3A_81 = arith.constant 2 : index
      %swap3A_82 = arith.constant 0 : index
      %swap3A_83 = arith.constant 0 : index
      %swap3A_84 = vector.load %arg1[%swap3A_81, %swap3A_82, %swap3A_83] : memref<3x8x1024xf32, #tpu.memory_space<vmem>>, vector<1x8x1024xf32>
      %swap3A_85 = vector.shape_cast %swap3A_84 : vector<1x8x1024xf32> to vector<8x1024xf32>
      %swap3A_86 = vector.shape_cast %select_n3A_80 : vector<8x1024xf32> to vector<1x8x1024xf32>
      tpu.vector_store %arg1[%swap3A_81, %swap3A_82, %swap3A_83], %swap3A_86 {strides = array<i32>} : memref<3x8x1024xf32, #tpu.memory_space<vmem>>, vector<1x8x1024xf32>,
      %sub3A = vector.broadcast %broadcast_in_dim3A_30 : vector<8x1xf32> to vector<8x4096xf32>
      %sub3A_87 = arith.subf %get3A_3, %sub3A : vector<8x4096xf32>
      %sub3A_88 = vector.broadcast %broadcast_in_dim3A_36 : vector<8x1xf32> to vector<8x4096xf32>
      %sub3A_89 = arith.subf %get3A_8, %sub3A_88 : vector<8x4096xf32>
      %sub3A_90 = vector.broadcast %broadcast_in_dim3A_42 : vector<8x1xf32> to vector<8x4096xf32>
      %sub3A_91 = arith.subf %get3A_13, %sub3A_90 : vector<8x4096xf32>
      %mul3A = arith.mulf %sub3A_87, %sub3A_87 : vector<8x4096xf32>
      %mul3A_92 = arith.mulf %sub3A_89, %sub3A_89 : vector<8x4096xf32>
      %add3A = arith.addf %mul3A, %mul3A_92 : vector<8x4096xf32>
      %mul3A_93 = arith.mulf %sub3A_91, %sub3A_91 : vector<8x4096xf32>
      %add3A_94 = arith.addf %add3A, %mul3A_93 : vector<8x4096xf32>
      %get3A_95 = arith.constant 0 : index
      %get3A_96 = arith.constant 0 : index
      %get3A_97 = vector.load %arg2[%get3A_95, %get3A_96] : memref<8x4096xf32, #tpu.memory_space<vmem>>, vector<8x4096xf32>
      %min3A = arith.minimumf %get3A_97, %add3A_94 : vector<8x4096xf32>
      %swap3A_98 = arith.constant 0 : index
      %swap3A_99 = arith.constant 0 : index
      %swap3A_100 = vector.load %arg2[%swap3A_98, %swap3A_99] : memref<8x4096xf32, #tpu.memory_space<vmem>>, vector<8x4096xf32>
      tpu.vector_store %arg2[%swap3A_98, %swap3A_99], %min3A {strides = array<i32>} : memref<8x4096xf32, #tpu.memory_space<vmem>>, vector<8x4096xf32>,
      %reduce_max3A = arith.constant dense<0xFF800000> : vector<8xf32>
      %reduce_max3A_101 = vector.multi_reduction <maximumf>, %min3A, %reduce_max3A [1] : vector<8x4096xf32> to vector<8xf32>
      %broadcast_in_dim3A_102 = vector.shape_cast %reduce_max3A_101 : vector<8xf32> to vector<8x1xf32>
      %eq3A_103 = vector.broadcast %broadcast_in_dim3A_102 : vector<8x1xf32> to vector<8x4096xf32>
      %eq3A_104 = arith.cmpf oeq, %min3A, %eq3A_103 : vector<8x4096xf32>
      %jit3A_105 = arith.constant 4096 : i32
      %broadcast_in_dim3A_106 = vector.broadcast %jit3A_105 : i32 to vector<8x4096xi32>
      %select_n3A_107 = arith.select %eq3A_104, %iota3A, %broadcast_in_dim3A_106 : vector<8x4096xi1>, vector<8x4096xi32>
      %reduce_min3A = arith.constant dense<2147483647> : vector<8xi32>
      %reduce_min3A_108 = vector.multi_reduction <minsi>, %select_n3A_107, %reduce_min3A [1] : vector<8x4096xi32> to vector<8xi32>
      %broadcast_in_dim3A_109 = vector.shape_cast %reduce_min3A_108 : vector<8xi32> to vector<8x1xi32>
      scf.yield %broadcast_in_dim3A_109 : vector<8x1xi32>
    }
    %scan3A_24 = arith.constant 1024 : i32
    return
  }
}

module attributes {stable_mosaic.version = 14 : i64} {
  func.func @_knn_body(%arg0: i32, %arg1: i32, %arg2: memref<1x3x4096xf32, #tpu.memory_space<vmem>>, %arg3: memref<3x512x8xf32, #tpu.memory_space<vmem>>, %arg4: memref<1x4096x64xf32, #tpu.memory_space<vmem>>, %arg5: memref<64x128xf32, #tpu.memory_space<vmem>>, %arg6: memref<1x128xf32, #tpu.memory_space<vmem>>, %arg7: memref<1x512x32xi32, #tpu.memory_space<vmem>>, %arg8: memref<1x4096x128xf32, #tpu.memory_space<vmem>>, %arg9: memref<512x4096xi32, #tpu.memory_space<vmem>>) attributes {dimension_semantics = [#tpu.dimension_semantics<arbitrary>, #tpu.dimension_semantics<arbitrary>], iteration_bounds = array<i64: 8, 2>, scalar_prefetch = 0 : i64, scratch_operands = 1 : i64, tpu.core_type = #tpu.core_type<tc>, window_params = [{transform_indices = @transform_0, window_bounds = array<i64: 1, 3, 4096>}, {transform_indices = @transform_1, window_bounds = array<i64: 3, 512, 8>}, {transform_indices = @transform_2, window_bounds = array<i64: 1, 4096, 64>}, {pipeline_mode = #tpu.pipeline_mode<synchronous>, transform_indices = @transform_3, window_bounds = array<i64: 64, 128>}, {pipeline_mode = #tpu.pipeline_mode<synchronous>, transform_indices = @transform_4, window_bounds = array<i64: 1, 128>}, {transform_indices = @transform_5, window_bounds = array<i64: 1, 512, 32>}, {transform_indices = @transform_6, window_bounds = array<i64: 1, 4096, 128>}]} {
    %eq3A = arith.constant 0 : i32
    %eq3A_0 = arith.cmpi eq, %arg1, %eq3A : i32
    %convert_element_type3A = arith.extui %eq3A_0 : i1 to i32
    %cond3A = arith.constant 0 : i32
    %cond3A_1 = arith.cmpi ne, %convert_element_type3A, %cond3A : i32
    scf.if %cond3A_1 {
      %get3A_79 = arith.constant 0 : index
      %get3A_80 = arith.constant 0 : index
      %get3A_81 = arith.constant 0 : index
      %get3A_82 = vector.load %arg4[%get3A_79, %get3A_80, %get3A_81] : memref<1x4096x64xf32, #tpu.memory_space<vmem>>, vector<1x4096x64xf32>
      %get3A_83 = vector.shape_cast %get3A_82 : vector<1x4096x64xf32> to vector<4096x64xf32>
      %get3A_84 = arith.constant 0 : index
      %get3A_85 = arith.constant 0 : index
      %get3A_86 = vector.load %arg5[%get3A_84, %get3A_85] : memref<64x128xf32, #tpu.memory_space<vmem>>, vector<64x128xf32>
      %dot_general3A = arith.constant dense<0.000000e+00> : vector<4096x128xf32>
      %dot_general3A_87 = tpu.matmul %get3A_83, %get3A_86, %dot_general3A {dimension_numbers = #tpu.dot_dimension_numbers<[1], [0], [0], [1], [0, 0, 1, 1], [], []>, transpose_lhs_hint = false} : vector<4096x64xf32>, vector<64x128xf32>, vector<4096x128xf32> -> vector<4096x128xf32>
      %get3A_88 = arith.constant 0 : index
      %get3A_89 = arith.constant 0 : index
      %get3A_90 = vector.load %arg6[%get3A_88, %get3A_89] : memref<1x128xf32, #tpu.memory_space<vmem>>, vector<1x128xf32>
      %add3A_91 = vector.broadcast %get3A_90 : vector<1x128xf32> to vector<4096x128xf32>
      %add3A_92 = arith.addf %dot_general3A_87, %add3A_91 : vector<4096x128xf32>
      %max3A = arith.constant 0.000000e+00 : f32
      %max3A_93 = vector.broadcast %max3A : f32 to vector<4096x128xf32>
      %max3A_94 = arith.maximumf %add3A_92, %max3A_93 : vector<4096x128xf32>
      %swap3A_95 = arith.constant 0 : index
      %swap3A_96 = arith.constant 0 : index
      %swap3A_97 = arith.constant 0 : index
      %swap3A_98 = vector.load %arg8[%swap3A_95, %swap3A_96, %swap3A_97] : memref<1x4096x128xf32, #tpu.memory_space<vmem>>, vector<1x4096x128xf32>
      %swap3A_99 = vector.shape_cast %swap3A_98 : vector<1x4096x128xf32> to vector<4096x128xf32>
      %swap3A_100 = vector.shape_cast %max3A_94 : vector<4096x128xf32> to vector<1x4096x128xf32>
      tpu.vector_store %arg8[%swap3A_95, %swap3A_96, %swap3A_97], %swap3A_100 {strides = array<i32>} : memref<1x4096x128xf32, #tpu.memory_space<vmem>>, vector<1x4096x128xf32>,
    } else {
    }
    %get3A = arith.constant 0 : index
    %get3A_2 = arith.constant 0 : index
    %get3A_3 = arith.constant 0 : index
    %get3A_4 = vector.load %arg2[%get3A, %get3A_2, %get3A_3] : memref<1x3x4096xf32, #tpu.memory_space<vmem>>, vector<1x1x4096xf32>
    %get3A_5 = vector.shape_cast %get3A_4 : vector<1x1x4096xf32> to vector<1x4096xf32>
    %get3A_6 = arith.constant 0 : index
    %get3A_7 = arith.constant 1 : index
    %get3A_8 = arith.constant 0 : index
    %get3A_9 = vector.load %arg2[%get3A_6, %get3A_7, %get3A_8] : memref<1x3x4096xf32, #tpu.memory_space<vmem>>, vector<1x1x4096xf32>
    %get3A_10 = vector.shape_cast %get3A_9 : vector<1x1x4096xf32> to vector<1x4096xf32>
    %get3A_11 = arith.constant 0 : index
    %get3A_12 = arith.constant 2 : index
    %get3A_13 = arith.constant 0 : index
    %get3A_14 = vector.load %arg2[%get3A_11, %get3A_12, %get3A_13] : memref<1x3x4096xf32, #tpu.memory_space<vmem>>, vector<1x1x4096xf32>
    %get3A_15 = vector.shape_cast %get3A_14 : vector<1x1x4096xf32> to vector<1x4096xf32>
    %iota3A = tpu.iota {dimensions = array<i32: 1>} : vector<512x8xi32>
    %eq3A_16 = vector.broadcast %arg0 : i32 to vector<512x8xi32>
    %eq3A_17 = arith.cmpi eq, %iota3A, %eq3A_16 : vector<512x8xi32>
    %get3A_18 = arith.constant 0 : index
    %get3A_19 = arith.constant 0 : index
    %get3A_20 = arith.constant 0 : index
    %get3A_21 = vector.load %arg3[%get3A_18, %get3A_19, %get3A_20] : memref<3x512x8xf32, #tpu.memory_space<vmem>>, vector<1x512x8xf32>
    %get3A_22 = vector.shape_cast %get3A_21 : vector<1x512x8xf32> to vector<512x8xf32>
    %jit3A = arith.constant 0.000000e+00 : f32
    %broadcast_in_dim3A = vector.broadcast %jit3A : f32 to vector<512x8xf32>
    %select_n3A = arith.select %eq3A_17, %get3A_22, %broadcast_in_dim3A : vector<512x8xi1>, vector<512x8xf32>
    %reduce_sum3A = arith.constant dense<0.000000e+00> : vector<512xf32>
    %reduce_sum3A_23 = vector.multi_reduction <add>, %select_n3A, %reduce_sum3A [1] : vector<512x8xf32> to vector<512xf32>
    %broadcast_in_dim3A_24 = vector.shape_cast %reduce_sum3A_23 : vector<512xf32> to vector<512x1xf32>
    %get3A_25 = arith.constant 1 : index
    %get3A_26 = arith.constant 0 : index
    %get3A_27 = arith.constant 0 : index
    %get3A_28 = vector.load %arg3[%get3A_25, %get3A_26, %get3A_27] : memref<3x512x8xf32, #tpu.memory_space<vmem>>, vector<1x512x8xf32>
    %get3A_29 = vector.shape_cast %get3A_28 : vector<1x512x8xf32> to vector<512x8xf32>
    %jit3A_30 = arith.constant 0.000000e+00 : f32
    %broadcast_in_dim3A_31 = vector.broadcast %jit3A_30 : f32 to vector<512x8xf32>
    %select_n3A_32 = arith.select %eq3A_17, %get3A_29, %broadcast_in_dim3A_31 : vector<512x8xi1>, vector<512x8xf32>
    %reduce_sum3A_33 = arith.constant dense<0.000000e+00> : vector<512xf32>
    %reduce_sum3A_34 = vector.multi_reduction <add>, %select_n3A_32, %reduce_sum3A_33 [1] : vector<512x8xf32> to vector<512xf32>
    %broadcast_in_dim3A_35 = vector.shape_cast %reduce_sum3A_34 : vector<512xf32> to vector<512x1xf32>
    %get3A_36 = arith.constant 2 : index
    %get3A_37 = arith.constant 0 : index
    %get3A_38 = arith.constant 0 : index
    %get3A_39 = vector.load %arg3[%get3A_36, %get3A_37, %get3A_38] : memref<3x512x8xf32, #tpu.memory_space<vmem>>, vector<1x512x8xf32>
    %get3A_40 = vector.shape_cast %get3A_39 : vector<1x512x8xf32> to vector<512x8xf32>
    %jit3A_41 = arith.constant 0.000000e+00 : f32
    %broadcast_in_dim3A_42 = vector.broadcast %jit3A_41 : f32 to vector<512x8xf32>
    %select_n3A_43 = arith.select %eq3A_17, %get3A_40, %broadcast_in_dim3A_42 : vector<512x8xi1>, vector<512x8xf32>
    %reduce_sum3A_44 = arith.constant dense<0.000000e+00> : vector<512xf32>
    %reduce_sum3A_45 = vector.multi_reduction <add>, %select_n3A_43, %reduce_sum3A_44 [1] : vector<512x8xf32> to vector<512xf32>
    %broadcast_in_dim3A_46 = vector.shape_cast %reduce_sum3A_45 : vector<512xf32> to vector<512x1xf32>
    %sub3A = vector.broadcast %broadcast_in_dim3A_24 : vector<512x1xf32> to vector<512x4096xf32>
    %sub3A_47 = vector.broadcast %get3A_5 : vector<1x4096xf32> to vector<512x4096xf32>
    %sub3A_48 = arith.subf %sub3A, %sub3A_47 : vector<512x4096xf32>
    %sub3A_49 = vector.broadcast %broadcast_in_dim3A_35 : vector<512x1xf32> to vector<512x4096xf32>
    %sub3A_50 = vector.broadcast %get3A_10 : vector<1x4096xf32> to vector<512x4096xf32>
    %sub3A_51 = arith.subf %sub3A_49, %sub3A_50 : vector<512x4096xf32>
    %sub3A_52 = vector.broadcast %broadcast_in_dim3A_46 : vector<512x1xf32> to vector<512x4096xf32>
    %sub3A_53 = vector.broadcast %get3A_15 : vector<1x4096xf32> to vector<512x4096xf32>
    %sub3A_54 = arith.subf %sub3A_52, %sub3A_53 : vector<512x4096xf32>
    %iota3A_55 = tpu.iota {dimensions = array<i32: 1>} : vector<512x4096xi32>
    %iota3A_56 = tpu.iota {dimensions = array<i32: 1>} : vector<512x32xi32>
    %mul3A = arith.mulf %sub3A_48, %sub3A_48 : vector<512x4096xf32>
    %mul3A_57 = arith.mulf %sub3A_51, %sub3A_51 : vector<512x4096xf32>
    %add3A = arith.addf %mul3A, %mul3A_57 : vector<512x4096xf32>
    %mul3A_58 = arith.mulf %sub3A_54, %sub3A_54 : vector<512x4096xf32>
    %add3A_59 = arith.addf %add3A, %mul3A_58 : vector<512x4096xf32>
    %bitcast_convert_type3A = tpu.bitcast %add3A_59 : vector<512x4096xf32> -> vector<512x4096xi32>
    %and3A = arith.constant -4096 : i32
    %and3A_60 = vector.broadcast %and3A : i32 to vector<512x4096xi32>
    %and3A_61 = arith.andi %bitcast_convert_type3A, %and3A_60 : vector<512x4096xi32>
    %or3A = arith.ori %and3A_61, %iota3A_55 : vector<512x4096xi32>
    %swap3A = arith.constant 0 : index
    %swap3A_62 = arith.constant 0 : index
    %swap3A_63 = vector.load %arg9[%swap3A, %swap3A_62] : memref<512x4096xi32, #tpu.memory_space<vmem>>, vector<512x4096xi32>
    tpu.vector_store %arg9[%swap3A, %swap3A_62], %or3A {strides = array<i32>} : memref<512x4096xi32, #tpu.memory_space<vmem>>, vector<512x4096xi32>,
    %broadcast_in_dim3A_64 = arith.constant -1 : i32
    %broadcast_in_dim3A_65 = vector.broadcast %broadcast_in_dim3A_64 : i32 to vector<512x1xi32>
    %broadcast_in_dim3A_66 = arith.constant 0 : i32
    %broadcast_in_dim3A_67 = vector.broadcast %broadcast_in_dim3A_66 : i32 to vector<512x32xi32>
    %scan3A = arith.constant 0 : i32
    %scan3A_68 = arith.constant 32 : i32
    %scan3A_69 = arith.addi %scan3A, %scan3A_68 : i32
    %scan3A_70 = arith.constant 1 : i32
    %scan3A_71:2 = scf.for %scan3A_79 = %scan3A to %scan3A_69 step %scan3A_70 iter_args(%scan3A_80 = %broadcast_in_dim3A_65, %scan3A_81 = %broadcast_in_dim3A_67) -> (vector<512x1xi32>, vector<512x32xi32>)  : i32 {
      %get3A_82 = arith.constant 0 : index
      %get3A_83 = arith.constant 0 : index
      %get3A_84 = vector.load %arg9[%get3A_82, %get3A_83] : memref<512x4096xi32, #tpu.memory_space<vmem>>, vector<512x4096xi32>
      %gt3A = vector.broadcast %scan3A_80 : vector<512x1xi32> to vector<512x4096xi32>
      %gt3A_85 = arith.cmpi sgt, %get3A_84, %gt3A : vector<512x4096xi32>
      %jit3A_86 = arith.constant 2147483647 : i32
      %broadcast_in_dim3A_87 = vector.broadcast %jit3A_86 : i32 to vector<512x4096xi32>
      %select_n3A_88 = arith.select %gt3A_85, %get3A_84, %broadcast_in_dim3A_87 : vector<512x4096xi1>, vector<512x4096xi32>
      %reduce_min3A = arith.constant dense<2147483647> : vector<512xi32>
      %reduce_min3A_89 = vector.multi_reduction <minsi>, %select_n3A_88, %reduce_min3A [1] : vector<512x4096xi32> to vector<512xi32>
      %broadcast_in_dim3A_90 = vector.shape_cast %reduce_min3A_89 : vector<512xi32> to vector<512x1xi32>
      %eq3A_91 = vector.broadcast %scan3A_79 : i32 to vector<512x32xi32>
      %eq3A_92 = arith.cmpi eq, %iota3A_56, %eq3A_91 : vector<512x32xi32>
      %and3A_93 = arith.constant 4095 : i32
      %and3A_94 = vector.broadcast %and3A_93 : i32 to vector<512x1xi32>
      %and3A_95 = arith.andi %broadcast_in_dim3A_90, %and3A_94 : vector<512x1xi32>
      %mul3A_96 = arith.constant 4096 : i32
      %mul3A_97 = arith.muli %arg0, %mul3A_96 : i32
      %add3A_98 = vector.broadcast %mul3A_97 : i32 to vector<512x1xi32>
      %add3A_99 = arith.addi %and3A_95, %add3A_98 : vector<512x1xi32>
      %broadcast_in_dim3A_100 = vector.shape_cast %add3A_99 : vector<512x1xi32> to vector<512x1xi32>
      %broadcast_in_dim3A_101 = vector.broadcast %broadcast_in_dim3A_100 : vector<512x1xi32> to vector<512x32xi32>
      %select_n3A_102 = arith.select %eq3A_92, %broadcast_in_dim3A_101, %scan3A_81 : vector<512x32xi1>, vector<512x32xi32>
      scf.yield %broadcast_in_dim3A_90, %select_n3A_102 : vector<512x1xi32>, vector<512x32xi32>
    }
    %scan3A_72 = arith.constant 32 : i32
    %swap3A_73 = arith.constant 0 : index
    %swap3A_74 = arith.constant 0 : index
    %swap3A_75 = arith.constant 0 : index
    %swap3A_76 = vector.load %arg7[%swap3A_73, %swap3A_74, %swap3A_75] : memref<1x512x32xi32, #tpu.memory_space<vmem>>, vector<1x512x32xi32>
    %swap3A_77 = vector.shape_cast %swap3A_76 : vector<1x512x32xi32> to vector<512x32xi32>
    %swap3A_78 = vector.shape_cast %scan3A_71#1 : vector<512x32xi32> to vector<1x512x32xi32>
    tpu.vector_store %arg7[%swap3A_73, %swap3A_74, %swap3A_75], %swap3A_78 {strides = array<i32>} : memref<1x512x32xi32, #tpu.memory_space<vmem>>, vector<1x512x32xi32>,
    return
  }
  func.func @transform_0(%arg0: i32, %arg1: i32) -> (i32, i32, i32) {
    %c0_i32 = arith.constant 0 : i32
    %c0_i32_0 = arith.constant 0 : i32
    %c0_i32_1 = arith.constant 0 : i32
    return %arg0, %c0_i32, %c0_i32_0 : i32, i32, i32
  }
  func.func @transform_1(%arg0: i32, %arg1: i32) -> (i32, i32, i32) {
    %c0_i32 = arith.constant 0 : i32
    %c0_i32_0 = arith.constant 0 : i32
    %c0_i32_1 = arith.constant 0 : i32
    return %c0_i32, %arg1, %c0_i32_0 : i32, i32, i32
  }
  func.func @transform_2(%arg0: i32, %arg1: i32) -> (i32, i32, i32) {
    %c0_i32 = arith.constant 0 : i32
    %c0_i32_0 = arith.constant 0 : i32
    %c0_i32_1 = arith.constant 0 : i32
    return %arg0, %c0_i32, %c0_i32_0 : i32, i32, i32
  }
  func.func @transform_3(%arg0: i32, %arg1: i32) -> (i32, i32) {
    %c0_i32 = arith.constant 0 : i32
    %c0_i32_0 = arith.constant 0 : i32
    %c0_i32_1 = arith.constant 0 : i32
    return %c0_i32, %c0_i32_0 : i32, i32
  }
  func.func @transform_4(%arg0: i32, %arg1: i32) -> (i32, i32) {
    %c0_i32 = arith.constant 0 : i32
    %c0_i32_0 = arith.constant 0 : i32
    %c0_i32_1 = arith.constant 0 : i32
    return %c0_i32, %c0_i32_0 : i32, i32
  }
  func.func @transform_5(%arg0: i32, %arg1: i32) -> (i32, i32, i32) {
    %c0_i32 = arith.constant 0 : i32
    %c0_i32_0 = arith.constant 0 : i32
    return %arg0, %arg1, %c0_i32 : i32, i32, i32
  }
  func.func @transform_6(%arg0: i32, %arg1: i32) -> (i32, i32, i32) {
    %c0_i32 = arith.constant 0 : i32
    %c0_i32_0 = arith.constant 0 : i32
    %c0_i32_1 = arith.constant 0 : i32
    return %arg0, %c0_i32, %c0_i32_0 : i32, i32, i32
  }
}

</mosaic_0001>

<sc_bundles>
// kernel: kernel.5.cloned.1.call-start
scs
__scs_entry_jumppad:
0x0: {  	(pc) =	sbr.rel $0x88, $3  }
0x1: {  	(tag) =	ssettag $0x0;
	lr =	simm.s32 $0x1  }
0x2: {  	[smem:$0x3F9D] =	sst lr;
	_ =	strace $0xD0000000  }
0x3: {  	_ = 	snop  }
0x4: {  	_ = 	snop  }
0x5: {  	_ = 	snop  }
0x6: {  	_ = 	snop  }
0x7: {  	_ = 	snop  }
__scs_overlays_trampoline_lowered:
0x8: {  	[smem:$0x3FAC] =	sst s0  }
0x9: {  	[smem:$0x3FAD] =	sst s1  }
0xa: {  	[smem:$0x3FAE] =	sst s2  }
0xb: {  	[smem:$0x3FAF] =	sst s3  }
0xc: {  	[smem:$0x3FB0] =	sst s4  }
0xd: {  	[smem:$0x3FB1] =	sst s5  }
0xe: {  	[smem:$0x3FB2] =	sst s6  }
0xf: {  	[smem:$0x3FB3] =	sst s7  }
0x10: {  	[smem:$0x3FB4] =	sst s8  }
0x11: {  	[smem:$0x3FB5] =	sst s9;
	s0 =	simm.s32 @!p0 $0x0  }
0x12: {  	s1 =	sld [smem:$0x3F9B];
	s0 =	simm.s32 @p0 $0x1  }
0x13: {  	[smem:$0x3FB6] =	sst s0;
	s0 =	simm.s32 @!p1 $0x0  }
0x14: {  	s2 =	sld [smem:$0x3F9A];
	s0 =	simm.s32 @p1 $0x1  }
0x15: {  	[smem:$0x3FB7] =	sst s0;
	s0 =	simm.s32 @!p2 $0x0  }
0x16: {  	s3 =	sld [smem:$0x3FDB];
	s0 =	simm.s32 @p2 $0x1  }
0x17: {  	s4 =	simm.s32 $0x1BF5;
	[smem:$0x3FB9] =	sst s0  }
0x18: {  	s0 =	sld [smem:$0x3F9C];
	_ =	swait.ge [sflag:s4], $0x0  }
0x19: {  	s7 =	sld [smem:$0x3F9D]  }
0x1a: {  	s8 =	sadd.s32 $0xFFFFE003, lr  }
0x1b: {  	s9 =	sadd.s32 $0xFFFFFEF7, lr;
	s5 =	simm.s32 $0xFFFFFFFF;
	p2 =	slt.u32 s8, $0xFFFFF086  }
0x1c: {  	p1 =	slt.u32 s9, $0xF7A;
	s5 =	simm.s32 @!p2 $0x0  }
0x1d: {  	s5 =	simm.s32 @p1 $0x1;
	p0 =	seq.s32 s7, s2  }
0x1e: {  	s7 =	smul.u32 @!p0 $0xF7A, s2;
	p2 =	seq.s32 @!p0 s5, $0x0  }
0x1f: {  	s9 =	smul.u32 $0xF7A, s1;
	s8 =	simm.s32 @!p0 $0x1BF5;
	p2 =	por !p2, p0  }
0x20: {  	[sflag:s8] =	ssyncset.s32 @!p0 $0xFFFFF086;
	s6 =	sadd.s32 @!p0 s3, s7;
	s7 =	simm.s32 @!p0 $0x108  }
0x21: {  	s3 =	sadd.s32 s3, s9;
	s6 =	sadd.s32 @!p0 $0x88, s6;
	s7 =	simm.s32 @p2 $0x1082  }
0x22: {  	[simem:s7], [sflag:s8] =	dma.local @!p0 [hbm:s6], $0xF7A  }
0x23: {  	s9 =	sor.u32 $0xD0000000, s2;
	s6 =	simm.s32 $0x108;
	_ =	swait.ge @!p0 [sflag:s8], $0x0  }
0x24: {  	s3 =	sadd.s32 $0x88, s3;
	s6 =	simm.s32 @!p1 $0x1082;
	[sflag:s4] =	ssyncset.s32 $0xFFFFF086  }
0x25: {  	[simem:s6], [sflag:s4] =	dma.local [hbm:s3], $0xF7A  }
0x26: {  	[smem:$0x3F9D] =	sst s1;
	(tag) =	ssettag s2;
	_ =	strace s9  }
0x27: {  	s1 =	sld [smem:$0x3FAD]  }
0x28: {  	s2 =	sld [smem:$0x3FAE]  }
0x29: {  	s4 =	sld [smem:$0x3FB0]  }
0x2a: {  	p0 =	seq.s32 s5, $0x0;
	s5 =	sld [smem:$0x3FB1]  }
0x2b: {  	s6 =	sld [smem:$0x3FB2]  }
0x2c: {  	s7 =	sld [smem:$0x3FB3]  }
0x2d: {  	s3 =	simm.s32 $0x108;
	s8 =	sld [smem:$0x3FB4]  }
0x2e: {  	s3 =	simm.s32 @!p0 $0x1082;
	s9 =	sld [smem:$0x3FB5]  }
0x2f: {  	lr =	sadd.s32 s0, s3;
	s0 =	sld [smem:$0x3FAC]  }
0x30: {  	s3 =	sld [smem:$0x3FAF]  }
0x31: {  	[smem:$0x3FB8] =	sst s10  }
0x32: {  	s10 =	sld [smem:$0x3FB6];
	_ =	sdelay $0x3  }
0x33: {  	p0 =	seq.s32 s10, $0x1;
	s10 =	sld [smem:$0x3FB8];
	_ =	sdelay $0x3  }
0x34: {  	[smem:$0x3FB8] =	sst s10  }
0x35: {  	s10 =	sld [smem:$0x3FB7];
	_ =	sdelay $0x3  }
0x36: {  	p1 =	seq.s32 s10, $0x1;
	s10 =	sld [smem:$0x3FB8];
	_ =	sdelay $0x3  }
0x37: {  	[smem:$0x3FB8] =	sst s10  }
0x38: {  	s10 =	sld [smem:$0x3FB9]  }
0x39: {  	_ = 	snop;
	(pc) =	sbr.ind lr, $3  }
0x3a: {  	_ = 	snop  }
0x3b: {  	_ = 	snop  }
0x3c: {  	p2 =	seq.s32 s10, $0x1;
	s10 =	sld [smem:$0x3FB8]  }
0x3d: {  	_ =	shalt  }
0x3e: {  	_ =	shalt  }
0x3f: {  	_ =	shalt  }
0x40: {  	_ =	shalt  }
0x41: {  	_ =	shalt  }
0x42: {  	_ =	shalt  }
0x43: {  	_ =	shalt  }
0x44: {  	_ =	shalt  }
0x45: {  	_ =	shalt  }
0x46: {  	_ =	shalt  }
0x47: {  	_ =	shalt  }
0x48: {  	_ =	shalt  }
0x49: {  	_ =	shalt  }
0x4a: {  	_ =	shalt  }
0x4b: {  	_ =	shalt  }
0x4c: {  	_ =	shalt  }
0x4d: {  	_ =	shalt  }
0x4e: {  	_ =	shalt  }
0x4f: {  	_ =	shalt  }
0x50: {  	_ =	shalt  }
0x51: {  	_ =	shalt  }
0x52: {  	_ =	shalt  }
0x53: {  	_ =	shalt  }
0x54: {  	_ =	shalt  }
0x55: {  	_ =	shalt  }
0x56: {  	_ =	shalt  }
0x57: {  	_ =	shalt  }
0x58: {  	_ =	shalt  }
0x59: {  	_ =	shalt  }
0x5a: {  	_ =	shalt  }
0x5b: {  	_ =	shalt  }
0x5c: {  	_ =	shalt  }
0x5d: {  	_ =	shalt  }
0x5e: {  	_ =	shalt  }
0x5f: {  	_ =	shalt  }
0x60: {  	_ =	shalt  }
0x61: {  	_ =	shalt  }
0x62: {  	_ =	shalt  }
0x63: {  	_ =	shalt  }
0x64: {  	_ =	shalt  }
0x65: {  	_ =	shalt  }
0x66: {  	_ =	shalt  }
0x67: {  	_ =	shalt  }
0x68: {  	_ =	shalt  }
0x69: {  	_ =	shalt  }
0x6a: {  	_ =	shalt  }
0x6b: {  	_ =	shalt  }
0x6c: {  	_ =	shalt  }
0x6d: {  	_ =	shalt  }
0x6e: {  	_ =	shalt  }
0x6f: {  	_ =	shalt  }
0x70: {  	_ =	shalt  }
0x71: {  	_ =	shalt  }
0x72: {  	_ =	shalt  }
0x73: {  	_ =	shalt  }
0x74: {  	_ =	shalt  }
0x75: {  	_ =	shalt  }
0x76: {  	_ =	shalt  }
0x77: {  	_ =	shalt  }
0x78: {  	_ =	shalt  }
0x79: {  	_ =	shalt  }
0x7a: {  	_ =	shalt  }
0x7b: {  	_ =	shalt  }
0x7c: {  	_ =	shalt  }
0x7d: {  	_ =	shalt  }
0x7e: {  	_ =	shalt  }
0x7f: {  	_ =	shalt  }
0x80: {  	_ =	shalt  }
0x81: {  	_ =	shalt  }
0x82: {  	_ =	shalt  }
0x83: {  	_ =	shalt  }
0x84: {  	_ =	shalt  }
0x85: {  	_ =	shalt  }
0x86: {  	_ =	shalt  }
0x87: {  	_ =	shalt  }
.Lfunc_end0:
.L_simem_size_0:
called_computation_lowered:
.L_overlay_start_0:
0x88: {  	s2 =	sld [smem:$0x3FD9]  }
0x89: {  	s3 =	sld [smem:$0x3FFE];
	_ =	sdelay $0x1  }
0x8a: {  	s1 =	srdreg.scid  }
0x8b: {  	s0 =	sand.u32 $0x1, s1  }
0x8c: {  	s14 =	sshll.u32 s0, $0xA;
	s2 =	sadd.s32 s3, s2  }
0x8d: {  	s2 =	sadd.s32 s2, s14  }
0x8e: {  	[smem:$0x3FC4] =	sst s2  }
0x8f: {  	_ = 	snop  }
0x90: {  	s2 =	sld [smem:$0x3FD0];
	_ =	sdelay $0x2  }
0x91: {  	s15 =	simm.s32 $0xA;
	s4 =	simm.s32 $0x10  }
0x92: {  	[smem:s4], [sflag:s15] =	dma.local [hbm:s2], $0x1  }
0x93: {  	_ =	swait.eq [sflag:s15], $0x1  }
0x94: {  	[sflag:s15] =	ssyncset.done $0x0  }
0x95: {  	[sflag:s15] =	ssyncadd.s32 $0xFFFFFFFF  }
0x96: {  	s16 =	sld [smem:$0x10];
	(tm) =	ssettm $0x1  }
0x97: {  	s17 =	sld [smem:$0x3FFB];
	_ =	sdelay $0x3  }
0x98: {  	_ =	strace s17  }
0x99: {  	s3 =	sld [smem:$0x3FFC];
	_ =	sdelay $0x3  }
0x9a: {  	_ =	strace s3  }
0x9b: {  	s3 =	sld [smem:$0x3FFD];
	_ =	sdelay $0x3  }
0x9c: {  	_ =	strace s3  }
0x9d: {  	_ =	strace $0x8FFFFFFF  }
0x9e: {  	s18 =	sld [smem:$0x3FDB];
	_ =	sdelay $0x1  }
0x9f: {  	s19 =	simm.s32 $_scs_section_size  }
0xa0: {  	s5 =	simm.s32 $_size__tile_overlayer_lowered;
	s6 =	simm.s32 $_tile_overlayer_lowered  }
0xa1: {  	s22 =	simm.s32 $0x1BFF;
	s21 =	sshll.u32 s6, $0x1;
	s3 =	sadd.s32 s19, s18  }
0xa2: {  	s7 =	simm.s32 $0x0;
	s20 =	sshll.u32 s5, $0x1;
	s5 =	sadd.s32 s21, s3  }
0xa3: {  	[timem:s7], [sflag:s22] =	dma.local [hbm:s5], s20  }
0xa4: {  	_ =	swait.ge [sflag:s22], s20  }
0xa5: {  	s4 =	ssub.s32 $0x0, s20;
	[sflag:s22] =	ssyncset.done $0x0  }
0xa6: {  	[sflag:s22] =	ssyncadd.s32 s4;
	_ =	sdelay $0x1  }
0xa7: {  	s23 =	simm.s32 $0x1B8B  }
0xa8: {  	_ =	swait.ge [sflag:s23], $0x1  }
0xa9: {  	[sflag:s23] =	ssyncset.done $0x0  }
0xaa: {  	s25 =	simm.s32 $0x1B8E;
	s24 =	sld [smem:$0x3FFE];
	[sflag:s23] =	ssyncadd.s32 $0xFFFFFFFF  }
0xab: {  	s26 =	simm.s32 $execute0_lowered;
	[smem:$0x3FD2] =	sst s25  }
0xac: {  	s5 =	sshll.u32 s26, $0x1;
	_ =	strace $0x80000046;
	[dreg:$0x1] =	wrdreg $0xFFFFFFFF  }
0xad: {  	s28 =	simm.s32 $_size_execute0_lowered;
	s3 =	sadd.s32 s3, s5;
	[dreg:$0x0] =	wrdreg $0x0  }
0xae: {  	s5 =	sshll.u32 s28, $0x1;
	[dreg:$0x2] =	wrdreg s3  }
0xaf: {  	[dreg:$0x3] =	wrdreg s5  }
0xb0: {  	[dreg:$0x4] =	wrdreg $0xC0  }
0xb1: {  	_ =	task [dreg:s7], $0x5FFFF  }
0xb2: {  	[dreg:$0x1] =	wrdreg $0xFFFFFFFF  }
0xb3: {  	[dreg:$0x0] =	wrdreg $0x60  }
0xb4: {  	[dreg:$0x2] =	wrdreg s24  }
0xb5: {  	[dreg:$0x3] =	wrdreg s16  }
0xb6: {  	[dreg:$0x4] =	wrdreg $0x9  }
0xb7: {  	_ =	task.clear_ibuf [dreg:s7], $0x5FFFF;
	_ =	strace $0x90000046  }
0xb8: {  	s29 =	simm.s32 $0x9;
	_ =	strace $0x80000048  }
0xb9: {  	_ =	swait.ge [sflag:s29], $0x1  }
0xba: {  	[sflag:s29] =	ssyncadd.s32 $0xFFFFFFFF  }
0xbb: {  	_ =	strace $0x90000048  }
0xbc: {  	_ =	sfence  }
0xbd: {  	s30 =	sld [smem:$0x0];
	_ =	sdelay $0x2  }
0xbe: {  	s31 =	sshll.u32 s1, $0xD;
	s1 =	sshrl.u32 s1, $0x2  }
0xbf: {  	s3 =	sand.u32 $0x4000, s31;
	s1 =	sadd.s32 s1, s30  }
0xc0: {  	s0 =	sor.u32 s3, s0;
	s1 =	sshll.u32 s1, $0x11  }
0xc1: {  	s0 =	sor.u32 s1, s0  }
0xc2: {  	s0 =	sadd.s32 $0x8F2B, s0  }
0xc3: {  	[sflag:s0] =	ssyncadd.remote.s32 $0x1  }
0xc4: {  	_ =	sfence.sel $0xFFFF  }
0xc5: {  	[dreg:$0x0] =	wrdreg $0xFFFFFFFF;
	(pc) =	sbr.abs _section_cstart, $3  }
0xc6: {  	[dreg:$0x1] =	wrdreg $0xFFFFFFFF  }
0xc7: {  	_ =	task.clear_ibuf [dreg:s7], $0x2FFFF;
	_ =	strace $0x9FFFFFFF  }
0xc8: {  	(tm) =	ssettm $0x7FFFFFFF  }
0xc9: {  	_ =	shalt  }
tec
execute0_lowered:
.L_overlay_start_1:
0x0: {  	(tag) =	ssettag $0x1  }
0x1: {  	s4 =	rddreg [dreg:$0x0]  }
0x2: {  	s1 =	srdreg.scid;
	s0 =	stileid.u32  }
0x3: {  	s2 =	rddreg [dreg:$0x1];
	s3 =	simm.s32 $0x0;
	s9 =	simm.s32 $0x4  }
0x4: {  	s10 =	simm.s32 $0x80;
	s11 =	simm.s32 $0x2000;
	s12 =	simm.s32 $0x6000  }
0x5: {  	s13 =	simm.s32 $0x1;
	s14 =	simm.s32 $0xA000;
	s15 =	simm.s32 $0x3  }
0x6: {  	s16 =	simm.s32 $0x2;
	s5 =	sand.u32 $0x1, s1;
	s1 =	rddreg [dreg:$0x2]  }
0x7: {  	s17 =	simm.s32 $0x0;
	s6 =	sshll.u32 s0, $0x1;
	[smem:$0x7FF] =	sst s3  }
0x8: {  	s6 =	sor.u32 s5, s6;
	s5 =	ssub.s32 $0x2, s5;
	_ =	strace $0x80000047  }
0x9: {  	s7 =	sshll.u32 s6, $0xA;
	s8 =	sshrl.u32 s5, $0x1;
	s6 =	sshll.u32 s6, $0xC  }
0xa: {  	s7 =	sadd.s32 s7, s4;
	s4 =	sadd.s32 $0x80C00, s4;
	s8 =	ssub.s32 s5, s8  }
0xb: {  	s5 =	sadd.s32 $0xC00, s7;
	s7 =	sadd.s32 $0x40, s2;
	s8 =	smax.u32 s8, $0x1  }
.LBB2_1:
0xc: {  	[tilespmem:s3], [sflag:$0x4] =	stream.linear.gather [hbm4b:s5+s3], $0x2000, $0x38;
	[tilespmem:$0xA200] =	vst v63  }
0xd: {  	_ =	swait.ge [sflag:s9], $0x2000  }
0xe: {  	[sflag:s9] =	ssyncset.done $0x0  }
0xf: {  	s18 =	simm.s32 $0x0;
	[sflag:s9] =	ssyncadd.s32 $0xFFFFE000  }
0x10: {  	[tilespmem:s11], [sflag:$0x1] =	stream.indirect.gather [hbm4b:s4+s10], $0x80, s3, s10, $0xb8;
	[tilespmem:$0xA200] =	vst v63  }
.LBB2_2:
0x11: {  	s19 =	sshll.u32 s18, $0x8  }
0x12: {  	s20 =	sand.u32 $0x3FFFFF00, s19  }
0x13: {  	s19 =	sor.u32 $0x80, s20  }
0x14: {  	[tilespmem:s12], [sflag:$0x2] =	stream.indirect.gather [hbm4b:s4+s10], $0x80, s19, s10, $0xb8;
	[tilespmem:$0xA200] =	vst v63  }
0x15: {  	_ =	swait.ge [sflag:s13], $0x4000  }
0x16: {  	[sflag:s13] =	ssyncset.done $0x0  }
0x17: {  	[sflag:s13] =	ssyncadd.s32 $0xFFFFC000  }
0x18: {  	v8 =	vld [tilespmem:$0x2000]  }
0x19: {  	v11 =	vld [tilespmem:$0x2010]  }
0x1a: {  	v4 =	vld [tilespmem:$0x2020]  }
0x1b: {  	v3 =	vld [tilespmem:$0x2030]  }
0x1c: {  	v2 =	vld [tilespmem:$0x2040]  }
0x1d: {  	v1 =	vld [tilespmem:$0x2050]  }
0x1e: {  	v0 =	vld [tilespmem:$0x2060]  }
0x1f: {  	s22 =	simm.s32 $0x0;
	v5 =	vld [tilespmem:$0x2070]  }
0x20: {  	v10 =	vld [tilespmem:s22+$0x20F0]  }
0x21: {  	v13 =	vld [tilespmem:s22+$0x2080]  }
0x22: {  	v14 =	vld [tilespmem:s22+$0x2090]  }
0x23: {  	v12 =	vld [tilespmem:s22+$0x20A0]  }
0x24: {  	v9 =	vld [tilespmem:s22+$0x20B0]  }
0x25: {  	v7 =	vld [tilespmem:s22+$0x20C0]  }
0x26: {  	v6 =	vld [tilespmem:s22+$0x20D0]  }
0x27: {  	s21 =	simm.s32 $0x400;
	s19 =	simm.s32 $0x80;
	v5 =	vmax.f32 v5, v10;
	v10 =	vmax.f32 v8, v13;
	v11 =	vmax.f32 v11, v14;
	v8 =	vld [tilespmem:s22+$0x20E0]  }
.LBB2_3:
0x28: {  	p0 =	sne.s32 s21, $0x3C00;
	v13 =	vld [tilespmem:s19+$0x20F0];
	v4 =	vmax.f32 v4, v12  }
0x29: {  	v14 =	vld [tilespmem:s19+$0x2080];
	v3 =	vmax.f32 v3, v9  }
0x2a: {  	v15 =	vld [tilespmem:s19+$0x2090];
	v2 =	vmax.f32 v2, v7  }
.Ltmp0:
0x2b: {  	v12 =	vld [tilespmem:s19+$0x20A0];
	v1 =	vmax.f32 v1, v6;
	(pc) =	sbr.rel @p0 .LBB2_3-.Ltmp0, $4  }
0x2c: {  	v9 =	vld [tilespmem:s19+$0x20B0];
	v0 =	vmax.f32 v0, v8  }
0x2d: {  	v7 =	vld [tilespmem:s19+$0x20C0];
	v5 =	vmax.f32 v5, v13  }
0x2e: {  	v10 =	vmax.f32 v10, v14;
	v6 =	vld [tilespmem:s19+$0x20D0]  }
0x2f: {  	v11 =	vmax.f32 v11, v15;
	v8 =	vld [tilespmem:s19+$0x20E0];
	s19 =	sshra.s32 s21, $0x2;
	s21 =	sadd.s32 $0x200, s21  }
0x30: {  	v13 =	vld [tilespmem:s19+$0x20F0]  }
0x31: {  	v14 =	vld [tilespmem:s19+$0x2080]  }
0x32: {  	v15 =	vld [tilespmem:s19+$0x2090]  }
0x33: {  	v16 =	vld [tilespmem:s19+$0x20A0]  }
0x34: {  	v17 =	vld [tilespmem:s19+$0x20B0]  }
0x35: {  	v18 =	vld [tilespmem:s19+$0x20C0]  }
0x36: {  	v19 =	vld [tilespmem:s19+$0x20D0]  }
0x37: {  	v7 =	vmax.f32 v2, v7;
	v2 =	vld [tilespmem:$0x3020];
	v10 =	vmax.f32 v10, v14  }
0x38: {  	v4 =	vmax.f32 v4, v12;
	v14 =	vld [tilespmem:s19+$0x20E0];
	v11 =	vmax.f32 v11, v15;
	[tilespmem:$0xA000] =	vst v10  }
0x39: {  	v3 =	vmax.f32 v3, v9;
	v4 =	vmax.f32 v4, v16;
	v10 =	vld [tilespmem:$0x3000];
	[tilespmem:$0xA010] =	vst v11  }
0x3a: {  	v1 =	vmax.f32 v1, v6;
	v3 =	vmax.f32 v3, v17;
	v11 =	vld [tilespmem:$0x3010];
	[tilespmem:$0xA020] =	vst v4  }
0x3b: {  	v1 =	vmax.f32 v1, v19;
	[tilespmem:$0xA030] =	vst v3;
	v3 =	vld [tilespmem:$0x3030]  }
0x3c: {  	v5 =	vmax.f32 v5, v13;
	[tilespmem:$0xA050] =	vst v1;
	v1 =	vld [tilespmem:$0x3050]  }
0x3d: {  	v0 =	vmax.f32 v0, v8;
	v4 =	vmax.f32 v7, v18;
	[tilespmem:$0xA070] =	vst v5;
	v5 =	vld [tilespmem:$0x3070]  }
0x3e: {  	[tilespmem:$0xA040] =	vst v4;
	v4 =	vld [tilespmem:$0x3040];
	v0 =	vmax.f32 v0, v14  }
0x3f: {  	s22 =	simm.s32 $0x0;
	[tilespmem:$0xA060] =	vst v0;
	v0 =	vld [tilespmem:$0x3060]  }
0x40: {  	v8 =	vld [tilespmem:s22+$0x30F0]  }
0x41: {  	v13 =	vld [tilespmem:s22+$0x3080]  }
0x42: {  	v14 =	vld [tilespmem:s22+$0x3090]  }
0x43: {  	v12 =	vld [tilespmem:s22+$0x30A0]  }
0x44: {  	v9 =	vld [tilespmem:s22+$0x30B0]  }
0x45: {  	v7 =	vld [tilespmem:s22+$0x30C0]  }
0x46: {  	v6 =	vld [tilespmem:s22+$0x30D0]  }
0x47: {  	s21 =	simm.s32 $0x400;
	s19 =	simm.s32 $0x80;
	v5 =	vmax.f32 v5, v8;
	v10 =	vmax.f32 v10, v13;
	v11 =	vmax.f32 v11, v14;
	v8 =	vld [tilespmem:s22+$0x30E0]  }
.LBB2_5:
0x48: {  	p0 =	sne.s32 s21, $0x3C00;
	v13 =	vld [tilespmem:s19+$0x30F0];
	v2 =	vmax.f32 v2, v12  }
0x49: {  	v14 =	vld [tilespmem:s19+$0x3080];
	v3 =	vmax.f32 v3, v9  }
0x4a: {  	v15 =	vld [tilespmem:s19+$0x3090];
	v4 =	vmax.f32 v4, v7  }
.Ltmp1:
0x4b: {  	v12 =	vld [tilespmem:s19+$0x30A0];
	v1 =	vmax.f32 v1, v6;
	(pc) =	sbr.rel @p0 .LBB2_5-.Ltmp1, $4  }
0x4c: {  	v9 =	vld [tilespmem:s19+$0x30B0];
	v0 =	vmax.f32 v0, v8  }
0x4d: {  	v7 =	vld [tilespmem:s19+$0x30C0];
	v5 =	vmax.f32 v5, v13  }
0x4e: {  	v10 =	vmax.f32 v10, v14;
	v6 =	vld [tilespmem:s19+$0x30D0]  }
0x4f: {  	v11 =	vmax.f32 v11, v15;
	v8 =	vld [tilespmem:s19+$0x30E0];
	s19 =	sshra.s32 s21, $0x2;
	s21 =	sadd.s32 $0x200, s21  }
0x50: {  	v13 =	vld [tilespmem:s19+$0x30F0]  }
0x51: {  	v14 =	vld [tilespmem:s19+$0x3080]  }
0x52: {  	v15 =	vld [tilespmem:s19+$0x3090]  }
0x53: {  	v16 =	vld [tilespmem:s19+$0x30A0]  }
0x54: {  	v17 =	vld [tilespmem:s19+$0x30B0]  }
0x55: {  	v18 =	vld [tilespmem:s19+$0x30C0]  }
0x56: {  	v19 =	vld [tilespmem:s19+$0x30D0]  }
0x57: {  	v10 =	vmax.f32 v10, v14;
	v14 =	vld [tilespmem:s19+$0x30E0]  }
0x58: {  	v2 =	vmax.f32 v2, v12;
	v11 =	vmax.f32 v11, v15;
	[tilespmem:$0xA080] =	vst v10;
	v10 =	vld [tilespmem:$0x4000]  }
0x59: {  	v3 =	vmax.f32 v3, v9;
	v2 =	vmax.f32 v2, v16;
	[tilespmem:$0xA090] =	vst v11;
	v11 =	vld [tilespmem:$0x4010]  }
0x5a: {  	v4 =	vmax.f32 v4, v7;
	v3 =	vmax.f32 v3, v17;
	[tilespmem:$0xA0A0] =	vst v2;
	v2 =	vld [tilespmem:$0x4020]  }
0x5b: {  	v1 =	vmax.f32 v1, v6;
	v4 =	vmax.f32 v4, v18;
	[tilespmem:$0xA0B0] =	vst v3;
	v3 =	vld [tilespmem:$0x4030]  }
0x5c: {  	v1 =	vmax.f32 v1, v19;
	[tilespmem:$0xA0C0] =	vst v4;
	v4 =	vld [tilespmem:$0x4040]  }
0x5d: {  	v0 =	vmax.f32 v0, v8;
	v5 =	vmax.f32 v5, v13;
	[tilespmem:$0xA0D0] =	vst v1;
	v1 =	vld [tilespmem:$0x4050]  }
0x5e: {  	[tilespmem:$0xA0F0] =	vst v5;
	v5 =	vld [tilespmem:$0x4070];
	v0 =	vmax.f32 v0, v14  }
0x5f: {  	s22 =	simm.s32 $0x0;
	[tilespmem:$0xA0E0] =	vst v0;
	v0 =	vld [tilespmem:$0x4060]  }
0x60: {  	v8 =	vld [tilespmem:s22+$0x40F0]  }
0x61: {  	v13 =	vld [tilespmem:s22+$0x4080]  }
0x62: {  	v14 =	vld [tilespmem:s22+$0x4090]  }
0x63: {  	v12 =	vld [tilespmem:s22+$0x40A0]  }
0x64: {  	v9 =	vld [tilespmem:s22+$0x40B0]  }
0x65: {  	v7 =	vld [tilespmem:s22+$0x40C0]  }
0x66: {  	v6 =	vld [tilespmem:s22+$0x40D0]  }
0x67: {  	s21 =	simm.s32 $0x400;
	s19 =	simm.s32 $0x80;
	v5 =	vmax.f32 v5, v8;
	v10 =	vmax.f32 v10, v13;
	v11 =	vmax.f32 v11, v14;
	v8 =	vld [tilespmem:s22+$0x40E0]  }
.LBB2_7:
0x68: {  	p0 =	sne.s32 s21, $0x3C00;
	v13 =	vld [tilespmem:s19+$0x40F0];
	v2 =	vmax.f32 v2, v12  }
0x69: {  	v14 =	vld [tilespmem:s19+$0x4080];
	v3 =	vmax.f32 v3, v9  }
0x6a: {  	v15 =	vld [tilespmem:s19+$0x4090];
	v4 =	vmax.f32 v4, v7  }
.Ltmp2:
0x6b: {  	v12 =	vld [tilespmem:s19+$0x40A0];
	v1 =	vmax.f32 v1, v6;
	(pc) =	sbr.rel @p0 .LBB2_7-.Ltmp2, $4  }
0x6c: {  	v9 =	vld [tilespmem:s19+$0x40B0];
	v0 =	vmax.f32 v0, v8  }
0x6d: {  	v7 =	vld [tilespmem:s19+$0x40C0];
	v5 =	vmax.f32 v5, v13  }
0x6e: {  	v10 =	vmax.f32 v10, v14;
	v6 =	vld [tilespmem:s19+$0x40D0]  }
0x6f: {  	v11 =	vmax.f32 v11, v15;
	v8 =	vld [tilespmem:s19+$0x40E0];
	s19 =	sshra.s32 s21, $0x2;
	s21 =	sadd.s32 $0x200, s21  }
0x70: {  	v13 =	vld [tilespmem:s19+$0x40F0]  }
0x71: {  	v14 =	vld [tilespmem:s19+$0x4080]  }
0x72: {  	v15 =	vld [tilespmem:s19+$0x4090]  }
0x73: {  	v16 =	vld [tilespmem:s19+$0x40A0]  }
0x74: {  	v17 =	vld [tilespmem:s19+$0x40B0]  }
0x75: {  	v18 =	vld [tilespmem:s19+$0x40C0]  }
0x76: {  	v19 =	vld [tilespmem:s19+$0x40D0]  }
0x77: {  	v3 =	vmax.f32 v3, v9;
	v9 =	vld [tilespmem:$0x5010];
	v10 =	vmax.f32 v10, v14  }
0x78: {  	v2 =	vmax.f32 v2, v12;
	v14 =	vld [tilespmem:s19+$0x40E0];
	v11 =	vmax.f32 v11, v15;
	[tilespmem:$0xA100] =	vst v10  }
0x79: {  	v6 =	vmax.f32 v1, v6;
	v1 =	vld [tilespmem:$0x5030];
	v2 =	vmax.f32 v2, v16;
	[tilespmem:$0xA110] =	vst v11  }
0x7a: {  	v4 =	vmax.f32 v4, v7;
	v3 =	vmax.f32 v3, v17;
	v10 =	vld [tilespmem:$0x5000];
	[tilespmem:$0xA120] =	vst v2  }
0x7b: {  	v4 =	vmax.f32 v4, v18;
	v2 =	vld [tilespmem:$0x5020];
	[tilespmem:$0xA130] =	vst v3  }
0x7c: {  	v5 =	vmax.f32 v5, v13;
	v3 =	vmax.f32 v0, v8;
	[tilespmem:$0xA140] =	vst v4;
	v0 =	vld [tilespmem:$0x5040]  }
0x7d: {  	v6 =	vmax.f32 v6, v19;
	[tilespmem:$0xA170] =	vst v5;
	v5 =	vld [tilespmem:$0x5070]  }
0x7e: {  	[tilespmem:$0xA150] =	vst v6;
	v4 =	vmax.f32 v3, v14;
	v3 =	vld [tilespmem:$0x5050]  }
0x7f: {  	s22 =	simm.s32 $0x0;
	[tilespmem:$0xA160] =	vst v4;
	v4 =	vld [tilespmem:$0x5060]  }
0x80: {  	v11 =	vld [tilespmem:s22+$0x50F0]  }
0x81: {  	v13 =	vld [tilespmem:s22+$0x5080]  }
0x82: {  	v14 =	vld [tilespmem:s22+$0x5090]  }
0x83: {  	v12 =	vld [tilespmem:s22+$0x50A0]  }
0x84: {  	v8 =	vld [tilespmem:s22+$0x50B0]  }
0x85: {  	v7 =	vld [tilespmem:s22+$0x50C0]  }
0x86: {  	v6 =	vld [tilespmem:s22+$0x50D0]  }
0x87: {  	s21 =	simm.s32 $0x400;
	s19 =	simm.s32 $0x80;
	v5 =	vmax.f32 v5, v11;
	v10 =	vmax.f32 v10, v13;
	v11 =	vmax.f32 v9, v14;
	v9 =	vld [tilespmem:s22+$0x50E0]  }
.LBB2_9:
0x88: {  	p0 =	sne.s32 s21, $0x3C00;
	v13 =	vld [tilespmem:s19+$0x50F0];
	v2 =	vmax.f32 v2, v12  }
0x89: {  	v14 =	vld [tilespmem:s19+$0x5080];
	v1 =	vmax.f32 v1, v8  }
0x8a: {  	v15 =	vld [tilespmem:s19+$0x5090];
	v0 =	vmax.f32 v0, v7  }
.Ltmp3:
0x8b: {  	v12 =	vld [tilespmem:s19+$0x50A0];
	v3 =	vmax.f32 v3, v6;
	(pc) =	sbr.rel @p0 .LBB2_9-.Ltmp3, $4  }
0x8c: {  	v8 =	vld [tilespmem:s19+$0x50B0];
	v4 =	vmax.f32 v4, v9  }
0x8d: {  	v7 =	vld [tilespmem:s19+$0x50C0];
	v5 =	vmax.f32 v5, v13  }
0x8e: {  	v10 =	vmax.f32 v10, v14;
	v6 =	vld [tilespmem:s19+$0x50D0]  }
0x8f: {  	v11 =	vmax.f32 v11, v15;
	v9 =	vld [tilespmem:s19+$0x50E0];
	s19 =	sshra.s32 s21, $0x2;
	s21 =	sadd.s32 $0x200, s21  }
0x90: {  	v13 =	vld [tilespmem:s19+$0x50F0]  }
0x91: {  	v14 =	vld [tilespmem:s19+$0x5080]  }
0x92: {  	v15 =	vld [tilespmem:s19+$0x5090]  }
0x93: {  	v16 =	vld [tilespmem:s19+$0x50A0]  }
0x94: {  	v17 =	vld [tilespmem:s19+$0x50B0]  }
0x95: {  	v18 =	vld [tilespmem:s19+$0x50C0]  }
0x96: {  	v19 =	vld [tilespmem:s19+$0x50D0];
	v10 =	vmax.f32 v10, v14  }
0x97: {  	v2 =	vmax.f32 v2, v12;
	v14 =	vld [tilespmem:s19+$0x50E0];
	v11 =	vmax.f32 v11, v15;
	[tilespmem:$0xA180] =	vst v10  }
0x98: {  	v1 =	vmax.f32 v1, v8;
	v2 =	vmax.f32 v2, v16;
	[tilespmem:$0xA190] =	vst v11  }
0x99: {  	v0 =	vmax.f32 v0, v7;
	v1 =	vmax.f32 v1, v17;
	[tilespmem:$0xA1A0] =	vst v2  }
0x9a: {  	v0 =	vmax.f32 v0, v18;
	v2 =	vmax.f32 v3, v6;
	[tilespmem:$0xA1B0] =	vst v1  }
0x9b: {  	v1 =	vmax.f32 v4, v9;
	[tilespmem:$0xA1C0] =	vst v0;
	v2 =	vmax.f32 v2, v19  }
0x9c: {  	s30 =	sshll.u32 s18, $0x7;
	[tilespmem:$0xA1D0] =	vst v2;
	v0 =	vmax.f32 v1, v14  }
0x9d: {  	s19 =	sadd.s32 s6, s30;
	v1 =	vmax.f32 v5, v13;
	[tilespmem:$0xA1E0] =	vst v0  }
0x9e: {  	s21 =	sadd.s32 s2, s19;
	[tilespmem:$0xA1F0] =	vst v1  }
0x9f: {  	[hbm4b:s21+s3] =	stream.linear.scatter [tilespmem:s14], [sflag:$0x3], $0x200, $0x38;
	[tilespmem:$0xA200] =	vst v63  }
0xa0: {  	p0 =	seq.s32 s18, $0x1F;
	_ =	swait.ge [sflag:s15], $0x200  }
0xa1: {  	s20 =	sadd.s32 @!p0 $0x100, s20;
	[sflag:s15] =	ssyncset.done $0x0  }
0xa2: {  	s22 =	simm.s32 @!p0 $0x2000;
	s21 =	simm.s32 @!p0 $0x80;
	[sflag:s15] =	ssyncadd.s32 $0xFFFFFE00  }
0xa3: {  	[tilespmem:s22], [sflag:$0x1] =	stream.indirect.gather @!p0 [hbm4b:s4+s21], $0x80, s20, s21, $0xb8;
	[tilespmem:$0xA200] =	vst v63  }
0xa4: {  	_ =	swait.ge [sflag:s16], $0x4000  }
0xa5: {  	[sflag:s16] =	ssyncset.done $0x0  }
0xa6: {  	[sflag:s16] =	ssyncadd.s32 $0xFFFFC000  }
0xa7: {  	v8 =	vld [tilespmem:$0x6000]  }
0xa8: {  	v11 =	vld [tilespmem:$0x6010]  }
0xa9: {  	v4 =	vld [tilespmem:$0x6020]  }
0xaa: {  	v3 =	vld [tilespmem:$0x6030]  }
0xab: {  	v2 =	vld [tilespmem:$0x6040]  }
0xac: {  	v1 =	vld [tilespmem:$0x6050]  }
0xad: {  	v0 =	vld [tilespmem:$0x6060]  }
0xae: {  	s31 =	simm.s32 $0x0;
	v5 =	vld [tilespmem:$0x6070]  }
0xaf: {  	v10 =	vld [tilespmem:s31+$0x60F0]  }
0xb0: {  	v13 =	vld [tilespmem:s31+$0x6080]  }
0xb1: {  	v14 =	vld [tilespmem:s31+$0x6090]  }
0xb2: {  	v12 =	vld [tilespmem:s31+$0x60A0]  }
0xb3: {  	v9 =	vld [tilespmem:s31+$0x60B0]  }
0xb4: {  	v7 =	vld [tilespmem:s31+$0x60C0]  }
0xb5: {  	v6 =	vld [tilespmem:s31+$0x60D0]  }
0xb6: {  	s20 =	simm.s32 $0x80;
	s21 =	simm.s32 $0x400;
	v5 =	vmax.f32 v5, v10;
	v10 =	vmax.f32 v8, v13;
	v11 =	vmax.f32 v11, v14;
	v8 =	vld [tilespmem:s31+$0x60E0]  }
.LBB2_11:
0xb7: {  	p0 =	sne.s32 s21, $0x3C00;
	v13 =	vld [tilespmem:s20+$0x60F0];
	v4 =	vmax.f32 v4, v12  }
0xb8: {  	v14 =	vld [tilespmem:s20+$0x6080];
	v3 =	vmax.f32 v3, v9  }
0xb9: {  	v15 =	vld [tilespmem:s20+$0x6090];
	v2 =	vmax.f32 v2, v7  }
.Ltmp4:
0xba: {  	v12 =	vld [tilespmem:s20+$0x60A0];
	v1 =	vmax.f32 v1, v6;
	(pc) =	sbr.rel @p0 .LBB2_11-.Ltmp4, $4  }
0xbb: {  	v9 =	vld [tilespmem:s20+$0x60B0];
	v0 =	vmax.f32 v0, v8  }
0xbc: {  	v7 =	vld [tilespmem:s20+$0x60C0];
	v5 =	vmax.f32 v5, v13  }
0xbd: {  	v10 =	vmax.f32 v10, v14;
	v6 =	vld [tilespmem:s20+$0x60D0]  }
0xbe: {  	v11 =	vmax.f32 v11, v15;
	v8 =	vld [tilespmem:s20+$0x60E0];
	s20 =	sshra.s32 s21, $0x2;
	s21 =	sadd.s32 $0x200, s21  }
0xbf: {  	v13 =	vld [tilespmem:s20+$0x60F0]  }
0xc0: {  	v14 =	vld [tilespmem:s20+$0x6080]  }
0xc1: {  	v15 =	vld [tilespmem:s20+$0x6090]  }
0xc2: {  	v16 =	vld [tilespmem:s20+$0x60A0]  }
0xc3: {  	v17 =	vld [tilespmem:s20+$0x60B0]  }
0xc4: {  	v18 =	vld [tilespmem:s20+$0x60C0]  }
0xc5: {  	v19 =	vld [tilespmem:s20+$0x60D0]  }
0xc6: {  	v7 =	vmax.f32 v2, v7;
	v2 =	vld [tilespmem:$0x7020];
	v10 =	vmax.f32 v10, v14  }
0xc7: {  	v4 =	vmax.f32 v4, v12;
	v14 =	vld [tilespmem:s20+$0x60E0];
	v11 =	vmax.f32 v11, v15;
	[tilespmem:$0xA000] =	vst v10  }
0xc8: {  	v3 =	vmax.f32 v3, v9;
	v4 =	vmax.f32 v4, v16;
	v10 =	vld [tilespmem:$0x7000];
	[tilespmem:$0xA010] =	vst v11  }
0xc9: {  	v1 =	vmax.f32 v1, v6;
	v3 =	vmax.f32 v3, v17;
	v11 =	vld [tilespmem:$0x7010];
	[tilespmem:$0xA020] =	vst v4  }
0xca: {  	v1 =	vmax.f32 v1, v19;
	[tilespmem:$0xA030] =	vst v3;
	v3 =	vld [tilespmem:$0x7030]  }
0xcb: {  	v5 =	vmax.f32 v5, v13;
	[tilespmem:$0xA050] =	vst v1;
	v1 =	vld [tilespmem:$0x7050]  }
0xcc: {  	v0 =	vmax.f32 v0, v8;
	v4 =	vmax.f32 v7, v18;
	[tilespmem:$0xA070] =	vst v5;
	v5 =	vld [tilespmem:$0x7070]  }
0xcd: {  	[tilespmem:$0xA040] =	vst v4;
	v4 =	vld [tilespmem:$0x7040];
	v0 =	vmax.f32 v0, v14  }
0xce: {  	s22 =	simm.s32 $0x0;
	[tilespmem:$0xA060] =	vst v0;
	v0 =	vld [tilespmem:$0x7060]  }
0xcf: {  	v8 =	vld [tilespmem:s22+$0x70F0]  }
0xd0: {  	v13 =	vld [tilespmem:s22+$0x7080]  }
0xd1: {  	v14 =	vld [tilespmem:s22+$0x7090]  }
0xd2: {  	v12 =	vld [tilespmem:s22+$0x70A0]  }
0xd3: {  	v9 =	vld [tilespmem:s22+$0x70B0]  }
0xd4: {  	v7 =	vld [tilespmem:s22+$0x70C0]  }
0xd5: {  	v6 =	vld [tilespmem:s22+$0x70D0]  }
0xd6: {  	s21 =	simm.s32 $0x400;
	s20 =	simm.s32 $0x80;
	v5 =	vmax.f32 v5, v8;
	v10 =	vmax.f32 v10, v13;
	v11 =	vmax.f32 v11, v14;
	v8 =	vld [tilespmem:s22+$0x70E0]  }
.LBB2_13:
0xd7: {  	p0 =	sne.s32 s21, $0x3C00;
	v13 =	vld [tilespmem:s20+$0x70F0];
	v2 =	vmax.f32 v2, v12  }
0xd8: {  	v14 =	vld [tilespmem:s20+$0x7080];
	v3 =	vmax.f32 v3, v9  }
0xd9: {  	v15 =	vld [tilespmem:s20+$0x7090];
	v4 =	vmax.f32 v4, v7  }
.Ltmp5:
0xda: {  	v12 =	vld [tilespmem:s20+$0x70A0];
	v1 =	vmax.f32 v1, v6;
	(pc) =	sbr.rel @p0 .LBB2_13-.Ltmp5, $4  }
0xdb: {  	v9 =	vld [tilespmem:s20+$0x70B0];
	v0 =	vmax.f32 v0, v8  }
0xdc: {  	v7 =	vld [tilespmem:s20+$0x70C0];
	v5 =	vmax.f32 v5, v13  }
0xdd: {  	v10 =	vmax.f32 v10, v14;
	v6 =	vld [tilespmem:s20+$0x70D0]  }
0xde: {  	v11 =	vmax.f32 v11, v15;
	v8 =	vld [tilespmem:s20+$0x70E0];
	s20 =	sshra.s32 s21, $0x2;
	s21 =	sadd.s32 $0x200, s21  }
0xdf: {  	v13 =	vld [tilespmem:s20+$0x70F0]  }
0xe0: {  	v14 =	vld [tilespmem:s20+$0x7080]  }
0xe1: {  	v15 =	vld [tilespmem:s20+$0x7090]  }
0xe2: {  	v16 =	vld [tilespmem:s20+$0x70A0]  }
0xe3: {  	v17 =	vld [tilespmem:s20+$0x70B0]  }
0xe4: {  	v18 =	vld [tilespmem:s20+$0x70C0]  }
0xe5: {  	v19 =	vld [tilespmem:s20+$0x70D0]  }
0xe6: {  	v10 =	vmax.f32 v10, v14;
	v14 =	vld [tilespmem:s20+$0x70E0]  }
0xe7: {  	v2 =	vmax.f32 v2, v12;
	v11 =	vmax.f32 v11, v15;
	[tilespmem:$0xA080] =	vst v10;
	v10 =	vld [tilespmem:$0x8000]  }
0xe8: {  	v3 =	vmax.f32 v3, v9;
	v2 =	vmax.f32 v2, v16;
	[tilespmem:$0xA090] =	vst v11;
	v11 =	vld [tilespmem:$0x8010]  }
0xe9: {  	v4 =	vmax.f32 v4, v7;
	v3 =	vmax.f32 v3, v17;
	[tilespmem:$0xA0A0] =	vst v2;
	v2 =	vld [tilespmem:$0x8020]  }
0xea: {  	v1 =	vmax.f32 v1, v6;
	v4 =	vmax.f32 v4, v18;
	[tilespmem:$0xA0B0] =	vst v3;
	v3 =	vld [tilespmem:$0x8030]  }
0xeb: {  	v1 =	vmax.f32 v1, v19;
	[tilespmem:$0xA0C0] =	vst v4;
	v4 =	vld [tilespmem:$0x8040]  }
0xec: {  	v0 =	vmax.f32 v0, v8;
	v5 =	vmax.f32 v5, v13;
	[tilespmem:$0xA0D0] =	vst v1;
	v1 =	vld [tilespmem:$0x8050]  }
0xed: {  	[tilespmem:$0xA0F0] =	vst v5;
	v5 =	vld [tilespmem:$0x8070];
	v0 =	vmax.f32 v0, v14  }
0xee: {  	s22 =	simm.s32 $0x0;
	[tilespmem:$0xA0E0] =	vst v0;
	v0 =	vld [tilespmem:$0x8060]  }
0xef: {  	v8 =	vld [tilespmem:s22+$0x80F0]  }
0xf0: {  	v13 =	vld [tilespmem:s22+$0x8080]  }
0xf1: {  	v14 =	vld [tilespmem:s22+$0x8090]  }
0xf2: {  	v12 =	vld [tilespmem:s22+$0x80A0]  }
0xf3: {  	v9 =	vld [tilespmem:s22+$0x80B0]  }
0xf4: {  	v7 =	vld [tilespmem:s22+$0x80C0]  }
0xf5: {  	v6 =	vld [tilespmem:s22+$0x80D0]  }
0xf6: {  	s21 =	simm.s32 $0x400;
	s20 =	simm.s32 $0x80;
	v5 =	vmax.f32 v5, v8;
	v10 =	vmax.f32 v10, v13;
	v11 =	vmax.f32 v11, v14;
	v8 =	vld [tilespmem:s22+$0x80E0]  }
.LBB2_15:
0xf7: {  	p0 =	sne.s32 s21, $0x3C00;
	v13 =	vld [tilespmem:s20+$0x80F0];
	v2 =	vmax.f32 v2, v12  }
0xf8: {  	v14 =	vld [tilespmem:s20+$0x8080];
	v3 =	vmax.f32 v3, v9  }
0xf9: {  	v15 =	vld [tilespmem:s20+$0x8090];
	v4 =	vmax.f32 v4, v7  }
.Ltmp6:
0xfa: {  	v12 =	vld [tilespmem:s20+$0x80A0];
	v1 =	vmax.f32 v1, v6;
	(pc) =	sbr.rel @p0 .LBB2_15-.Ltmp6, $4  }
0xfb: {  	v9 =	vld [tilespmem:s20+$0x80B0];
	v0 =	vmax.f32 v0, v8  }
0xfc: {  	v7 =	vld [tilespmem:s20+$0x80C0];
	v5 =	vmax.f32 v5, v13  }
0xfd: {  	v10 =	vmax.f32 v10, v14;
	v6 =	vld [tilespmem:s20+$0x80D0]  }
0xfe: {  	v11 =	vmax.f32 v11, v15;
	v8 =	vld [tilespmem:s20+$0x80E0];
	s20 =	sshra.s32 s21, $0x2;
	s21 =	sadd.s32 $0x200, s21  }
0xff: {  	v13 =	vld [tilespmem:s20+$0x80F0]  }
0x100: {  	v14 =	vld [tilespmem:s20+$0x8080]  }
0x101: {  	v15 =	vld [tilespmem:s20+$0x8090]  }
0x102: {  	v16 =	vld [tilespmem:s20+$0x80A0]  }
0x103: {  	v17 =	vld [tilespmem:s20+$0x80B0]  }
0x104: {  	v18 =	vld [tilespmem:s20+$0x80C0]  }
0x105: {  	v19 =	vld [tilespmem:s20+$0x80D0]  }
0x106: {  	v3 =	vmax.f32 v3, v9;
	v9 =	vld [tilespmem:$0x9010];
	v10 =	vmax.f32 v10, v14  }
0x107: {  	v2 =	vmax.f32 v2, v12;
	v14 =	vld [tilespmem:s20+$0x80E0];
	v11 =	vmax.f32 v11, v15;
	[tilespmem:$0xA100] =	vst v10  }
0x108: {  	v6 =	vmax.f32 v1, v6;
	v1 =	vld [tilespmem:$0x9030];
	v2 =	vmax.f32 v2, v16;
	[tilespmem:$0xA110] =	vst v11  }
0x109: {  	v4 =	vmax.f32 v4, v7;
	v3 =	vmax.f32 v3, v17;
	v10 =	vld [tilespmem:$0x9000];
	[tilespmem:$0xA120] =	vst v2  }
0x10a: {  	v4 =	vmax.f32 v4, v18;
	v2 =	vld [tilespmem:$0x9020];
	[tilespmem:$0xA130] =	vst v3  }
0x10b: {  	v5 =	vmax.f32 v5, v13;
	v3 =	vmax.f32 v0, v8;
	[tilespmem:$0xA140] =	vst v4;
	v0 =	vld [tilespmem:$0x9040]  }
0x10c: {  	v6 =	vmax.f32 v6, v19;
	[tilespmem:$0xA170] =	vst v5;
	v5 =	vld [tilespmem:$0x9070]  }
0x10d: {  	[tilespmem:$0xA150] =	vst v6;
	v4 =	vmax.f32 v3, v14;
	v3 =	vld [tilespmem:$0x9050]  }
0x10e: {  	s22 =	simm.s32 $0x0;
	[tilespmem:$0xA160] =	vst v4;
	v4 =	vld [tilespmem:$0x9060]  }
0x10f: {  	v11 =	vld [tilespmem:s22+$0x90F0]  }
0x110: {  	v13 =	vld [tilespmem:s22+$0x9080]  }
0x111: {  	v14 =	vld [tilespmem:s22+$0x9090]  }
0x112: {  	v12 =	vld [tilespmem:s22+$0x90A0]  }
0x113: {  	v8 =	vld [tilespmem:s22+$0x90B0]  }
0x114: {  	v7 =	vld [tilespmem:s22+$0x90C0]  }
0x115: {  	v6 =	vld [tilespmem:s22+$0x90D0]  }
0x116: {  	s21 =	simm.s32 $0x400;
	s20 =	simm.s32 $0x80;
	v5 =	vmax.f32 v5, v11;
	v10 =	vmax.f32 v10, v13;
	v11 =	vmax.f32 v9, v14;
	v9 =	vld [tilespmem:s22+$0x90E0]  }
.LBB2_17:
0x117: {  	p0 =	sne.s32 s21, $0x3C00;
	v13 =	vld [tilespmem:s20+$0x90F0];
	v2 =	vmax.f32 v2, v12  }
0x118: {  	v14 =	vld [tilespmem:s20+$0x9080];
	v1 =	vmax.f32 v1, v8  }
0x119: {  	v15 =	vld [tilespmem:s20+$0x9090];
	v0 =	vmax.f32 v0, v7  }
.Ltmp7:
0x11a: {  	v12 =	vld [tilespmem:s20+$0x90A0];
	v3 =	vmax.f32 v3, v6;
	(pc) =	sbr.rel @p0 .LBB2_17-.Ltmp7, $4  }
0x11b: {  	v8 =	vld [tilespmem:s20+$0x90B0];
	v4 =	vmax.f32 v4, v9  }
0x11c: {  	v7 =	vld [tilespmem:s20+$0x90C0];
	v5 =	vmax.f32 v5, v13  }
0x11d: {  	v10 =	vmax.f32 v10, v14;
	v6 =	vld [tilespmem:s20+$0x90D0]  }
0x11e: {  	v11 =	vmax.f32 v11, v15;
	v9 =	vld [tilespmem:s20+$0x90E0];
	s20 =	sshra.s32 s21, $0x2;
	s21 =	sadd.s32 $0x200, s21  }
0x11f: {  	v13 =	vld [tilespmem:s20+$0x90F0]  }
0x120: {  	v14 =	vld [tilespmem:s20+$0x9080]  }
0x121: {  	v15 =	vld [tilespmem:s20+$0x9090]  }
0x122: {  	v16 =	vld [tilespmem:s20+$0x90A0]  }
0x123: {  	v17 =	vld [tilespmem:s20+$0x90B0]  }
0x124: {  	v18 =	vld [tilespmem:s20+$0x90C0]  }
0x125: {  	v59 =	vld [tilespmem:s20+$0x90E0];
	v10 =	vmax.f32 v10, v14  }
0x126: {  	v19 =	vld [tilespmem:s20+$0x90D0];
	v2 =	vmax.f32 v2, v12;
	v11 =	vmax.f32 v11, v15;
	[tilespmem:$0xA180] =	vst v10  }
0x127: {  	v1 =	vmax.f32 v1, v8;
	v2 =	vmax.f32 v2, v16;
	[tilespmem:$0xA190] =	vst v11  }
0x128: {  	v0 =	vmax.f32 v0, v7;
	v1 =	vmax.f32 v1, v17;
	[tilespmem:$0xA1A0] =	vst v2  }
0x129: {  	v61 =	vmax.f32 v4, v9;
	v0 =	vmax.f32 v0, v18;
	[tilespmem:$0xA1B0] =	vst v1  }
0x12a: {  	v62 =	vmax.f32 v61, v59;
	[tilespmem:$0xA1C0] =	vst v0  }
0x12b: {  	s18 =	sadd.s32 $0x1, s18;
	v60 =	vmax.f32 v3, v6;
	v63 =	vmax.f32 v5, v13;
	[tilespmem:$0xA1E0] =	vst v62  }
0x12c: {  	p0 =	sne.s32 s18, $0x20;
	v2 =	vmax.f32 v60, v19;
	[tilespmem:$0xA1F0] =	vst v63  }
.Ltmp8:
0x12d: {  	s19 =	sadd.s32 s19, s7;
	[tilespmem:$0xA1D0] =	vst v2;
	(pc) =	sbr.rel @p0 .LBB2_2-.Ltmp8, $4  }
0x12e: {  	[hbm4b:s19+s3] =	stream.linear.scatter [tilespmem:s14], [sflag:$0x3], $0x200, $0x38;
	[tilespmem:$0xA200] =	vst v63  }
0x12f: {  	_ =	swait.ge [sflag:s15], $0x200  }
0x130: {  	[sflag:s15] =	ssyncset.done $0x0  }
0x131: {  	[sflag:s15] =	ssyncadd.s32 $0xFFFFFE00  }
0x132: {  	s17 =	sadd.s32 $0x1, s17  }
0x133: {  	p0 =	sne.s32 s17, s8  }
.Ltmp9:
0x134: {  	_ = 	snop;
	(pc) =	sbr.rel @p0 .LBB2_1-.Ltmp9, $1  }
0x135: {  	_ =	sdelay $0x3  }
0x136: {  	_ =	sfence.sel $0x180000  }
0x137: {  	[bflag:$0x0] =	sbarrier.arrive $0xFFFF  }
0x138: {  	p0 =	sne.s32 s0, $0x0;
	_ =	strace $0x90000047  }
0x139: {  	s0 =	sadd.s32 @!p0 $0x100000, s1;
	[bflag:$0x2] =	sbarrier.arrive $0xFFFF  }
0x13a: {  	[sflag:s0] =	ssyncadd.tile.s32 @!p0 $0x1;
	_ =	shalt  }
.Lfunc_end2:
_tile_overlayer_lowered:
.L_overlay_start_2:
0x13b: {  	(tag) =	ssettag $0x2  }
0x13c: {  	s0 =	rddreg [dreg:$0x0];
	s2 =	stileid.u32  }
0x13d: {  	s1 =	rddreg [dreg:$0x1];
	p0 =	sne.s32 s2, $0x0  }
0x13e: {  	s3 =	rddreg [dreg:$0x2];
	[bflag:$0x3] =	sbarrier.arrive $0xFFFF;
	s2 =	simm.s32 @!p0 $0x1C04  }
0x13f: {  	[timem:s3], [sflag:s2] =	dma.local @!p0 [hbm:s0], s1  }
0x140: {  	s0 =	simm.s32 @!p0 $0x4  }
0x141: {  	_ =	swait.ge @!p0 [sflag:s0], s1  }
0x142: {  	s1 =	ssub.s32 @!p0 $0x0, s1;
	[sflag:s0] =	ssyncset.done @!p0 $0x0  }
0x143: {  	[sflag:s0] =	ssyncadd.s32 @!p0 s1  }
0x144: {  	[bflag:$0x3] =	sbarrier.arrive $0xFFFF  }
0x145: {  	_ =	shalt  }

</sc_bundles>
